<compile_context>
chip_gen: v7x
topology: tpu7x:2x2x1
jax: 0.10.2.dev20260603
libtpu: 0.0.44.dev20260713+nightly
codegen_flags: <defaults>
</compile_context>

<pallas_src>
import functools

import jax
import jax.numpy as jnp
from jax import lax
from jax.experimental import pallas as pl
from jax.experimental.pallas import tpu as pltpu
from jax.experimental.pallas import tpu_sc as plsc

B, BEAM, S, V, D = 4096, 8, 20, 100000, 128
N = B * BEAM
NW = 32
NPW = N // NW
ROW_TILE = 1024
VP = 100352

_mesh = plsc.VectorSubcoreMesh(core_axis_name="c", subcore_axis_name="s")


def _project_body(emb_ref, w_ref, bs_ref, out_ref):
    out_ref[...] = jnp.sum(emb_ref[...] * w_ref[...], axis=1) + bs_ref[0, 0]


def _project(emb_table, w, b_over_s):
    return pl.pallas_call(
        _project_body,
        grid=(VP // ROW_TILE,),
        in_specs=[
            pl.BlockSpec((ROW_TILE, D), lambda i: (i, 0)),
            pl.BlockSpec((1, D), lambda i: (0, 0)),
            pl.BlockSpec((1, 1), lambda i: (0, 0)),
        ],
        out_specs=pl.BlockSpec((ROW_TILE,), lambda i: (i,)),
        out_shape=jax.ShapeDtypeStruct((VP,), jnp.float32),
    )(emb_table, w, b_over_s)


@functools.partial(
    pl.kernel,
    mesh=_mesh,
    compiler_params=pltpu.CompilerParams(
        use_tc_tiling_on_sc=False, needs_layout_passes=False
    ),
    out_type=jax.ShapeDtypeStruct((NW, NPW), jnp.float32),
    scratch_types=[
        pltpu.VMEM((VP,), jnp.float32),
        pltpu.VMEM((S, NPW), jnp.int32),
        pltpu.VMEM((NPW,), jnp.int32),
        pltpu.VMEM((NPW,), jnp.int32),
        pltpu.VMEM((NPW,), jnp.int32),
        pltpu.VMEM((NPW,), jnp.float32),
        pltpu.VMEM((NPW,), jnp.float32),
    ],
)
def _sc_scores(p_hbm, cap_hbm, len_hbm, ida_hbm, ixr_hbm, df_hbm, out_hbm,
               p_v, cap_v, len_v, ida_v, ixr_v, df_v, sc_v):
    wid = lax.axis_index("s") * 2 + lax.axis_index("c")
    pltpu.sync_copy(p_hbm, p_v)
    pltpu.sync_copy(cap_hbm.at[wid], cap_v)
    pltpu.sync_copy(len_hbm.at[wid], len_v)
    pltpu.sync_copy(ida_hbm.at[wid], ida_v)
    pltpu.sync_copy(ixr_hbm.at[wid], ixr_v)
    pltpu.sync_copy(df_hbm.at[wid], df_v)

    zero_i = jnp.zeros((16,), jnp.int32)
    zero_f = jnp.zeros((16,), jnp.float32)

    def body(v, carry):
        o = v * 16
        lv = len_v[pl.ds(o, 16)]
        acc = zero_f
        for s in range(S):
            idx = cap_v[s, pl.ds(o, 16)]
            valid = lv > jnp.full((16,), s + 1, jnp.int32)
            acc = acc + plsc.load_gather(p_v, [jnp.where(valid, idx, zero_i)])
        eq = ida_v[pl.ds(o, 16)] == ixr_v[pl.ds(o, 16)]
        idf = jnp.where(eq, df_v[pl.ds(o, 16)], zero_f)
        sc_v[pl.ds(o, 16)] = acc * idf
        return carry

    lax.fori_loop(0, NPW // 16, body, 0)
    pltpu.sync_copy(sc_v, out_hbm.at[wid])


def _lsm_body(x_ref, o_ref):
    x = x_ref[...]
    m = jnp.max(x, axis=1, keepdims=True)
    lse = jnp.log(jnp.sum(jnp.exp(x - m), axis=1, keepdims=True)) + m
    o_ref[...] = x - lse


def _log_softmax(scores):
    return pl.pallas_call(
        _lsm_body,
        out_shape=jax.ShapeDtypeStruct((B, BEAM), jnp.float32),
    )(scores)


def kernel(captions, caption_lengths, logs, idall, dfall, ix, emb_table, W_out, b_out):
    p = _project(emb_table, W_out, (b_out / S).reshape(1, 1))
    cap3 = (
        captions.reshape(N, S).T.reshape(S, NW, NPW).transpose(1, 0, 2)
    )
    len2 = caption_lengths.reshape(NW, NPW)
    ida2 = idall.reshape(NW, NPW)
    ixr2 = jnp.broadcast_to(ix[:, None], (B, BEAM)).reshape(NW, NPW)
    df2 = dfall.reshape(NW, NPW)
    scores = _sc_scores(p, cap3, len2, ida2, ixr2, df2).reshape(B, BEAM)
    return _log_softmax(scores)

# --- scband reference (transcript-rebuilt; emitter-appended) ---
"""Pipeline reference for scband-policy-la-24953759990478 (READ-ONLY COPY).

The authoritative reference and input builder live on the scoring server;
editing this copy changes nothing except your own understanding.
"""

import jax, jax.numpy as jnp
import numpy as np

L_P = 1.0
L_C = 1.0
B, BEAM, S, V, D = 4096, 8, 20, 100000, 128

def setup_inputs(seed: int = 0):
    key = jax.random.key(seed)
    ks = jax.random.split(key, 9)
    captions = jax.random.randint(ks[0], (B, BEAM, S), 0, V, dtype=jnp.int32)
    caption_lengths = jax.random.randint(ks[1], (B, BEAM, 1), 0, 21, dtype=jnp.int32)
    logs = jax.random.normal(ks[2], (B, BEAM), dtype=jnp.float32)
    idall = jax.random.randint(ks[3], (B, BEAM), 0, 16, dtype=jnp.int32)
    dfall = jax.random.uniform(ks[4], (B, BEAM), dtype=jnp.float32)
    ix = jax.random.randint(ks[5], (B,), 0, 16, dtype=jnp.int32)
    emb_table = jax.random.normal(ks[6], (V, D), dtype=jnp.float32) * 0.02
    W_out = jax.random.normal(ks[7], (1, D), dtype=jnp.float32) * 0.2
    b_out = jnp.zeros((1,), dtype=jnp.float32)
    return {"captions": captions, "caption_lengths": caption_lengths, "logs": logs,
            "idall": idall, "dfall": dfall, "ix": ix,
            "emb_table": emb_table, "W_out": W_out, "b_out": b_out}

def reference(captions, caption_lengths, logs, idall, dfall, ix, emb_table, W_out, b_out):
    # caption_mask = caption_lengths > ones.cumsum(dim=2)
    ones = jnp.ones_like(captions)
    cum = jnp.cumsum(ones, axis=2)
    caption_mask = caption_lengths > cum
    masked_captions = caption_mask.astype(captions.dtype) * captions
    # embedding lookup (SparseCore gather) + sum over seq dim
    caption_embeddings = jnp.take(emb_table, masked_captions, axis=0).astype(jnp.float32).sum(axis=2)
    # idfall = dfall * (idall == ix.unsqueeze(1))
    idfall = dfall * (idall == ix[:, None]).astype(dfall.dtype)
    # scores = Linear(decoder_dim -> 1).squeeze(-1)
    scores = (caption_embeddings @ W_out.T + b_out)[..., 0]
    scores = jnp.power(scores, L_P) * jnp.power(idfall, L_C)
    scores = jax.nn.log_softmax(scores, axis=1)
    return scores

if __name__ == "__main__":
    import jax
    _d = setup_inputs()
    print(jax.jit(kernel)(*tuple(_d.values())))

</pallas_src>

<mosaic_0001>
#map = affine_map<(d0, d1) -> (0)>
#map1 = affine_map<(d0, d1) -> (0, 0, 0)>
#map2 = affine_map<(d0, d1) -> (0, 0)>
module attributes {stable_mosaic.version = 14 : i64} {
  func.func @_sc_scores(%arg0: i32, %arg1: i32, %arg2: memref<100352xf32, #tpu.memory_space<hbm>>, %arg3: memref<32x20x1024xi32, #tpu.memory_space<hbm>>, %arg4: memref<32x1024xi32, #tpu.memory_space<hbm>>, %arg5: memref<32x1024xi32, #tpu.memory_space<hbm>>, %arg6: memref<32x1024xi32, #tpu.memory_space<hbm>>, %arg7: memref<32x1024xf32, #tpu.memory_space<hbm>>, %arg8: memref<32x1024xf32, #tpu.memory_space<hbm>>, %arg9: memref<100352xf32, #tpu.memory_space<vmem>>, %arg10: memref<20x1024xi32, #tpu.memory_space<vmem>>, %arg11: memref<1024xi32, #tpu.memory_space<vmem>>, %arg12: memref<1024xi32, #tpu.memory_space<vmem>>, %arg13: memref<1024xi32, #tpu.memory_space<vmem>>, %arg14: memref<1024xf32, #tpu.memory_space<vmem>>, %arg15: memref<1024xf32, #tpu.memory_space<vmem>>) attributes {dimension_semantics = [#tpu.dimension_semantics<core_parallel>, #tpu.dimension_semantics<subcore_parallel>], iteration_bounds = array<i64: 2, 16>, scalar_prefetch = 0 : i64, scratch_operands = 7 : i64, tpu.core_type = #tpu.core_type<sc_vector_subcore>, window_params = [{transform_indices = #map}, {transform_indices = #map1}, {transform_indices = #map2}, {transform_indices = #map2}, {transform_indices = #map2}, {transform_indices = #map2}, {transform_indices = #map2}]} {
    %mul3A = arith.constant 2 : i32
    %mul3A_0 = arith.muli %arg1, %mul3A : i32
    %add3A = arith.addi %mul3A_0, %arg0 : i32
    "tpu.region"() ({
      %run_scoped3A = tpu.sem_alloc : memref<!tpu.dma_semaphore, #tpu.memory_space<semaphore_mem>>
      tpu.enqueue_dma source(%arg2 : memref<100352xf32, #tpu.memory_space<hbm>>) target(%arg9 : memref<100352xf32, #tpu.memory_space<vmem>>) target_semaphore(%run_scoped3A : memref<!tpu.dma_semaphore, #tpu.memory_space<semaphore_mem>>)
      tpu.wait_dma2 semaphore(%run_scoped3A : memref<!tpu.dma_semaphore, #tpu.memory_space<semaphore_mem>>) src(%arg2 : memref<100352xf32, #tpu.memory_space<hbm>>) dst(%arg9 : memref<100352xf32, #tpu.memory_space<vmem>>)
      tpu.yield
    }) : () -> ()
    "tpu.region"() ({
      %run_scoped3A = tpu.sem_alloc : memref<!tpu.dma_semaphore, #tpu.memory_space<semaphore_mem>>
      %dma_start3A = arith.constant 0 : i32
      %dma_start3A_9 = arith.constant 0 : i32
      %dma_start3A_10 = tpu.memref_slice %arg3[%add3A, %dma_start3A, %dma_start3A_9] : memref<32x20x1024xi32, #tpu.memory_space<hbm>> -> memref<1x20x1024xi32, #tpu.memory_space<hbm>>
      %dma_start3A_11 = tpu.memref_squeeze %dma_start3A_10 : memref<1x20x1024xi32, #tpu.memory_space<hbm>> -> memref<20x1024xi32, #tpu.memory_space<hbm>>
      %dma_start3A_12 = arith.constant 0 : i32
      %dma_start3A_13 = arith.constant 0 : i32
      %dma_start3A_14 = tpu.memref_slice %arg3[%add3A, %dma_start3A_12, %dma_start3A_13] : memref<32x20x1024xi32, #tpu.memory_space<hbm>> -> memref<1x20x1024xi32, #tpu.memory_space<hbm>>
      %dma_start3A_15 = tpu.memref_squeeze %dma_start3A_14 : memref<1x20x1024xi32, #tpu.memory_space<hbm>> -> memref<20x1024xi32, #tpu.memory_space<hbm>>
      tpu.enqueue_dma source(%dma_start3A_15 : memref<20x1024xi32, #tpu.memory_space<hbm>>) target(%arg10 : memref<20x1024xi32, #tpu.memory_space<vmem>>) target_semaphore(%run_scoped3A : memref<!tpu.dma_semaphore, #tpu.memory_space<semaphore_mem>>)
      %dma_wait3A = arith.constant 0 : i32
      %dma_wait3A_16 = arith.constant 0 : i32
      %dma_wait3A_17 = tpu.memref_slice %arg3[%add3A, %dma_wait3A, %dma_wait3A_16] : memref<32x20x1024xi32, #tpu.memory_space<hbm>> -> memref<1x20x1024xi32, #tpu.memory_space<hbm>>
      %dma_wait3A_18 = tpu.memref_squeeze %dma_wait3A_17 : memref<1x20x1024xi32, #tpu.memory_space<hbm>> -> memref<20x1024xi32, #tpu.memory_space<hbm>>
      %dma_wait3A_19 = arith.constant 0 : i32
      %dma_wait3A_20 = arith.constant 0 : i32
      %dma_wait3A_21 = tpu.memref_slice %arg3[%add3A, %dma_wait3A_19, %dma_wait3A_20] : memref<32x20x1024xi32, #tpu.memory_space<hbm>> -> memref<1x20x1024xi32, #tpu.memory_space<hbm>>
      %dma_wait3A_22 = tpu.memref_squeeze %dma_wait3A_21 : memref<1x20x1024xi32, #tpu.memory_space<hbm>> -> memref<20x1024xi32, #tpu.memory_space<hbm>>
      tpu.wait_dma2 semaphore(%run_scoped3A : memref<!tpu.dma_semaphore, #tpu.memory_space<semaphore_mem>>) src(%dma_wait3A_22 : memref<20x1024xi32, #tpu.memory_space<hbm>>) dst(%arg10 : memref<20x1024xi32, #tpu.memory_space<vmem>>)
      tpu.yield
    }) : () -> ()
    "tpu.region"() ({
      %run_scoped3A = tpu.sem_alloc : memref<!tpu.dma_semaphore, #tpu.memory_space<semaphore_mem>>
      %dma_start3A = arith.constant 0 : i32
      %dma_start3A_9 = tpu.memref_slice %arg4[%add3A, %dma_start3A] : memref<32x1024xi32, #tpu.memory_space<hbm>> -> memref<1x1024xi32, #tpu.memory_space<hbm>>
      %dma_start3A_10 = tpu.memref_squeeze %dma_start3A_9 : memref<1x1024xi32, #tpu.memory_space<hbm>> -> memref<1024xi32, #tpu.memory_space<hbm>>
      %dma_start3A_11 = arith.constant 0 : i32
      %dma_start3A_12 = tpu.memref_slice %arg4[%add3A, %dma_start3A_11] : memref<32x1024xi32, #tpu.memory_space<hbm>> -> memref<1x1024xi32, #tpu.memory_space<hbm>>
      %dma_start3A_13 = tpu.memref_squeeze %dma_start3A_12 : memref<1x1024xi32, #tpu.memory_space<hbm>> -> memref<1024xi32, #tpu.memory_space<hbm>>
      tpu.enqueue_dma source(%dma_start3A_13 : memref<1024xi32, #tpu.memory_space<hbm>>) target(%arg11 : memref<1024xi32, #tpu.memory_space<vmem>>) target_semaphore(%run_scoped3A : memref<!tpu.dma_semaphore, #tpu.memory_space<semaphore_mem>>)
      %dma_wait3A = arith.constant 0 : i32
      %dma_wait3A_14 = tpu.memref_slice %arg4[%add3A, %dma_wait3A] : memref<32x1024xi32, #tpu.memory_space<hbm>> -> memref<1x1024xi32, #tpu.memory_space<hbm>>
      %dma_wait3A_15 = tpu.memref_squeeze %dma_wait3A_14 : memref<1x1024xi32, #tpu.memory_space<hbm>> -> memref<1024xi32, #tpu.memory_space<hbm>>
      %dma_wait3A_16 = arith.constant 0 : i32
      %dma_wait3A_17 = tpu.memref_slice %arg4[%add3A, %dma_wait3A_16] : memref<32x1024xi32, #tpu.memory_space<hbm>> -> memref<1x1024xi32, #tpu.memory_space<hbm>>
      %dma_wait3A_18 = tpu.memref_squeeze %dma_wait3A_17 : memref<1x1024xi32, #tpu.memory_space<hbm>> -> memref<1024xi32, #tpu.memory_space<hbm>>
      tpu.wait_dma2 semaphore(%run_scoped3A : memref<!tpu.dma_semaphore, #tpu.memory_space<semaphore_mem>>) src(%dma_wait3A_18 : memref<1024xi32, #tpu.memory_space<hbm>>) dst(%arg11 : memref<1024xi32, #tpu.memory_space<vmem>>)
      tpu.yield
    }) : () -> ()
    "tpu.region"() ({
      %run_scoped3A = tpu.sem_alloc : memref<!tpu.dma_semaphore, #tpu.memory_space<semaphore_mem>>
      %dma_start3A = arith.constant 0 : i32
      %dma_start3A_9 = tpu.memref_slice %arg5[%add3A, %dma_start3A] : memref<32x1024xi32, #tpu.memory_space<hbm>> -> memref<1x1024xi32, #tpu.memory_space<hbm>>
      %dma_start3A_10 = tpu.memref_squeeze %dma_start3A_9 : memref<1x1024xi32, #tpu.memory_space<hbm>> -> memref<1024xi32, #tpu.memory_space<hbm>>
      %dma_start3A_11 = arith.constant 0 : i32
      %dma_start3A_12 = tpu.memref_slice %arg5[%add3A, %dma_start3A_11] : memref<32x1024xi32, #tpu.memory_space<hbm>> -> memref<1x1024xi32, #tpu.memory_space<hbm>>
      %dma_start3A_13 = tpu.memref_squeeze %dma_start3A_12 : memref<1x1024xi32, #tpu.memory_space<hbm>> -> memref<1024xi32, #tpu.memory_space<hbm>>
      tpu.enqueue_dma source(%dma_start3A_13 : memref<1024xi32, #tpu.memory_space<hbm>>) target(%arg12 : memref<1024xi32, #tpu.memory_space<vmem>>) target_semaphore(%run_scoped3A : memref<!tpu.dma_semaphore, #tpu.memory_space<semaphore_mem>>)
      %dma_wait3A = arith.constant 0 : i32
      %dma_wait3A_14 = tpu.memref_slice %arg5[%add3A, %dma_wait3A] : memref<32x1024xi32, #tpu.memory_space<hbm>> -> memref<1x1024xi32, #tpu.memory_space<hbm>>
      %dma_wait3A_15 = tpu.memref_squeeze %dma_wait3A_14 : memref<1x1024xi32, #tpu.memory_space<hbm>> -> memref<1024xi32, #tpu.memory_space<hbm>>
      %dma_wait3A_16 = arith.constant 0 : i32
      %dma_wait3A_17 = tpu.memref_slice %arg5[%add3A, %dma_wait3A_16] : memref<32x1024xi32, #tpu.memory_space<hbm>> -> memref<1x1024xi32, #tpu.memory_space<hbm>>
      %dma_wait3A_18 = tpu.memref_squeeze %dma_wait3A_17 : memref<1x1024xi32, #tpu.memory_space<hbm>> -> memref<1024xi32, #tpu.memory_space<hbm>>
      tpu.wait_dma2 semaphore(%run_scoped3A : memref<!tpu.dma_semaphore, #tpu.memory_space<semaphore_mem>>) src(%dma_wait3A_18 : memref<1024xi32, #tpu.memory_space<hbm>>) dst(%arg12 : memref<1024xi32, #tpu.memory_space<vmem>>)
      tpu.yield
    }) : () -> ()
    "tpu.region"() ({
      %run_scoped3A = tpu.sem_alloc : memref<!tpu.dma_semaphore, #tpu.memory_space<semaphore_mem>>
      %dma_start3A = arith.constant 0 : i32
      %dma_start3A_9 = tpu.memref_slice %arg6[%add3A, %dma_start3A] : memref<32x1024xi32, #tpu.memory_space<hbm>> -> memref<1x1024xi32, #tpu.memory_space<hbm>>
      %dma_start3A_10 = tpu.memref_squeeze %dma_start3A_9 : memref<1x1024xi32, #tpu.memory_space<hbm>> -> memref<1024xi32, #tpu.memory_space<hbm>>
      %dma_start3A_11 = arith.constant 0 : i32
      %dma_start3A_12 = tpu.memref_slice %arg6[%add3A, %dma_start3A_11] : memref<32x1024xi32, #tpu.memory_space<hbm>> -> memref<1x1024xi32, #tpu.memory_space<hbm>>
      %dma_start3A_13 = tpu.memref_squeeze %dma_start3A_12 : memref<1x1024xi32, #tpu.memory_space<hbm>> -> memref<1024xi32, #tpu.memory_space<hbm>>
      tpu.enqueue_dma source(%dma_start3A_13 : memref<1024xi32, #tpu.memory_space<hbm>>) target(%arg13 : memref<1024xi32, #tpu.memory_space<vmem>>) target_semaphore(%run_scoped3A : memref<!tpu.dma_semaphore, #tpu.memory_space<semaphore_mem>>)
      %dma_wait3A = arith.constant 0 : i32
      %dma_wait3A_14 = tpu.memref_slice %arg6[%add3A, %dma_wait3A] : memref<32x1024xi32, #tpu.memory_space<hbm>> -> memref<1x1024xi32, #tpu.memory_space<hbm>>
      %dma_wait3A_15 = tpu.memref_squeeze %dma_wait3A_14 : memref<1x1024xi32, #tpu.memory_space<hbm>> -> memref<1024xi32, #tpu.memory_space<hbm>>
      %dma_wait3A_16 = arith.constant 0 : i32
      %dma_wait3A_17 = tpu.memref_slice %arg6[%add3A, %dma_wait3A_16] : memref<32x1024xi32, #tpu.memory_space<hbm>> -> memref<1x1024xi32, #tpu.memory_space<hbm>>
      %dma_wait3A_18 = tpu.memref_squeeze %dma_wait3A_17 : memref<1x1024xi32, #tpu.memory_space<hbm>> -> memref<1024xi32, #tpu.memory_space<hbm>>
      tpu.wait_dma2 semaphore(%run_scoped3A : memref<!tpu.dma_semaphore, #tpu.memory_space<semaphore_mem>>) src(%dma_wait3A_18 : memref<1024xi32, #tpu.memory_space<hbm>>) dst(%arg13 : memref<1024xi32, #tpu.memory_space<vmem>>)
      tpu.yield
    }) : () -> ()
    "tpu.region"() ({
      %run_scoped3A = tpu.sem_alloc : memref<!tpu.dma_semaphore, #tpu.memory_space<semaphore_mem>>
      %dma_start3A = arith.constant 0 : i32
      %dma_start3A_9 = tpu.memref_slice %arg7[%add3A, %dma_start3A] : memref<32x1024xf32, #tpu.memory_space<hbm>> -> memref<1x1024xf32, #tpu.memory_space<hbm>>
      %dma_start3A_10 = tpu.memref_squeeze %dma_start3A_9 : memref<1x1024xf32, #tpu.memory_space<hbm>> -> memref<1024xf32, #tpu.memory_space<hbm>>
      %dma_start3A_11 = arith.constant 0 : i32
      %dma_start3A_12 = tpu.memref_slice %arg7[%add3A, %dma_start3A_11] : memref<32x1024xf32, #tpu.memory_space<hbm>> -> memref<1x1024xf32, #tpu.memory_space<hbm>>
      %dma_start3A_13 = tpu.memref_squeeze %dma_start3A_12 : memref<1x1024xf32, #tpu.memory_space<hbm>> -> memref<1024xf32, #tpu.memory_space<hbm>>
      tpu.enqueue_dma source(%dma_start3A_13 : memref<1024xf32, #tpu.memory_space<hbm>>) target(%arg14 : memref<1024xf32, #tpu.memory_space<vmem>>) target_semaphore(%run_scoped3A : memref<!tpu.dma_semaphore, #tpu.memory_space<semaphore_mem>>)
      %dma_wait3A = arith.constant 0 : i32
      %dma_wait3A_14 = tpu.memref_slice %arg7[%add3A, %dma_wait3A] : memref<32x1024xf32, #tpu.memory_space<hbm>> -> memref<1x1024xf32, #tpu.memory_space<hbm>>
      %dma_wait3A_15 = tpu.memref_squeeze %dma_wait3A_14 : memref<1x1024xf32, #tpu.memory_space<hbm>> -> memref<1024xf32, #tpu.memory_space<hbm>>
      %dma_wait3A_16 = arith.constant 0 : i32
      %dma_wait3A_17 = tpu.memref_slice %arg7[%add3A, %dma_wait3A_16] : memref<32x1024xf32, #tpu.memory_space<hbm>> -> memref<1x1024xf32, #tpu.memory_space<hbm>>
      %dma_wait3A_18 = tpu.memref_squeeze %dma_wait3A_17 : memref<1x1024xf32, #tpu.memory_space<hbm>> -> memref<1024xf32, #tpu.memory_space<hbm>>
      tpu.wait_dma2 semaphore(%run_scoped3A : memref<!tpu.dma_semaphore, #tpu.memory_space<semaphore_mem>>) src(%dma_wait3A_18 : memref<1024xf32, #tpu.memory_space<hbm>>) dst(%arg14 : memref<1024xf32, #tpu.memory_space<vmem>>)
      tpu.yield
    }) : () -> ()
    %broadcast_in_dim3A = arith.constant 0 : i32
    %broadcast_in_dim3A_1 = vector.broadcast %broadcast_in_dim3A : i32 to vector<16xi32>
    %broadcast_in_dim3A_2 = arith.constant 0.000000e+00 : f32
    %broadcast_in_dim3A_3 = vector.broadcast %broadcast_in_dim3A_2 : f32 to vector<16xf32>
    %scan3A = arith.constant 0 : i32
    %scan3A_4 = arith.constant 0 : i32
    %scan3A_5 = arith.constant 64 : i32
    %scan3A_6 = arith.addi %scan3A_4, %scan3A_5 : i32
    %scan3A_7 = arith.constant 1 : i32
    scf.for %scan3A_9 = %scan3A_4 to %scan3A_6 step %scan3A_7  : i32 {
      %mul3A_10 = arith.constant 16 : i32
      %mul3A_11 = arith.muli %scan3A_9, %mul3A_10 : i32
      %get3A = arith.index_cast %mul3A_11 : i32 to index
      %get3A_12 = tpu.vector_load %arg11[%get3A] {strides = array<i32>} : memref<1024xi32, #tpu.memory_space<vmem>>, vector<16xi32>,
      %get3A_13 = arith.constant 0 : i32
      %get3A_14 = arith.index_cast %get3A_13 : i32 to index
      %get3A_15 = arith.index_cast %mul3A_11 : i32 to index
      %get3A_16 = tpu.vector_load %arg10[%get3A_14, %get3A_15] {strides = array<i32>} : memref<20x1024xi32, #tpu.memory_space<vmem>>, vector<16xi32>,
      %broadcast_in_dim3A_17 = arith.constant 1 : i32
      %broadcast_in_dim3A_18 = vector.broadcast %broadcast_in_dim3A_17 : i32 to vector<16xi32>
      %gt3A = arith.cmpi sgt, %get3A_12, %broadcast_in_dim3A_18 : vector<16xi32>
      %select_n3A = arith.select %gt3A, %get3A_16, %broadcast_in_dim3A_1 : vector<16xi1>, vector<16xi32>
      %gather3A = tpu.vector_load_idx %arg9[%select_n3A] : memref<100352xf32, #tpu.memory_space<vmem>>[vector<16xi32>], vector<16xf32>,
      %add3A_19 = arith.addf %broadcast_in_dim3A_3, %gather3A : vector<16xf32>
      %get3A_20 = arith.constant 1 : i32
      %get3A_21 = arith.index_cast %get3A_20 : i32 to index
      %get3A_22 = arith.index_cast %mul3A_11 : i32 to index
      %get3A_23 = tpu.vector_load %arg10[%get3A_21, %get3A_22] {strides = array<i32>} : memref<20x1024xi32, #tpu.memory_space<vmem>>, vector<16xi32>,
      %broadcast_in_dim3A_24 = arith.constant 2 : i32
      %broadcast_in_dim3A_25 = vector.broadcast %broadcast_in_dim3A_24 : i32 to vector<16xi32>
      %gt3A_26 = arith.cmpi sgt, %get3A_12, %broadcast_in_dim3A_25 : vector<16xi32>
      %select_n3A_27 = arith.select %gt3A_26, %get3A_23, %broadcast_in_dim3A_1 : vector<16xi1>, vector<16xi32>
      %gather3A_28 = tpu.vector_load_idx %arg9[%select_n3A_27] : memref<100352xf32, #tpu.memory_space<vmem>>[vector<16xi32>], vector<16xf32>,
      %add3A_29 = arith.addf %add3A_19, %gather3A_28 : vector<16xf32>
      %get3A_30 = arith.constant 2 : i32
      %get3A_31 = arith.index_cast %get3A_30 : i32 to index
      %get3A_32 = arith.index_cast %mul3A_11 : i32 to index
      %get3A_33 = tpu.vector_load %arg10[%get3A_31, %get3A_32] {strides = array<i32>} : memref<20x1024xi32, #tpu.memory_space<vmem>>, vector<16xi32>,
      %broadcast_in_dim3A_34 = arith.constant 3 : i32
      %broadcast_in_dim3A_35 = vector.broadcast %broadcast_in_dim3A_34 : i32 to vector<16xi32>
      %gt3A_36 = arith.cmpi sgt, %get3A_12, %broadcast_in_dim3A_35 : vector<16xi32>
      %select_n3A_37 = arith.select %gt3A_36, %get3A_33, %broadcast_in_dim3A_1 : vector<16xi1>, vector<16xi32>
      %gather3A_38 = tpu.vector_load_idx %arg9[%select_n3A_37] : memref<100352xf32, #tpu.memory_space<vmem>>[vector<16xi32>], vector<16xf32>,
      %add3A_39 = arith.addf %add3A_29, %gather3A_38 : vector<16xf32>
      %get3A_40 = arith.constant 3 : i32
      %get3A_41 = arith.index_cast %get3A_40 : i32 to index
      %get3A_42 = arith.index_cast %mul3A_11 : i32 to index
      %get3A_43 = tpu.vector_load %arg10[%get3A_41, %get3A_42] {strides = array<i32>} : memref<20x1024xi32, #tpu.memory_space<vmem>>, vector<16xi32>,
      %broadcast_in_dim3A_44 = arith.constant 4 : i32
      %broadcast_in_dim3A_45 = vector.broadcast %broadcast_in_dim3A_44 : i32 to vector<16xi32>
      %gt3A_46 = arith.cmpi sgt, %get3A_12, %broadcast_in_dim3A_45 : vector<16xi32>
      %select_n3A_47 = arith.select %gt3A_46, %get3A_43, %broadcast_in_dim3A_1 : vector<16xi1>, vector<16xi32>
      %gather3A_48 = tpu.vector_load_idx %arg9[%select_n3A_47] : memref<100352xf32, #tpu.memory_space<vmem>>[vector<16xi32>], vector<16xf32>,
      %add3A_49 = arith.addf %add3A_39, %gather3A_48 : vector<16xf32>
      %get3A_50 = arith.constant 4 : i32
      %get3A_51 = arith.index_cast %get3A_50 : i32 to index
      %get3A_52 = arith.index_cast %mul3A_11 : i32 to index
      %get3A_53 = tpu.vector_load %arg10[%get3A_51, %get3A_52] {strides = array<i32>} : memref<20x1024xi32, #tpu.memory_space<vmem>>, vector<16xi32>,
      %broadcast_in_dim3A_54 = arith.constant 5 : i32
      %broadcast_in_dim3A_55 = vector.broadcast %broadcast_in_dim3A_54 : i32 to vector<16xi32>
      %gt3A_56 = arith.cmpi sgt, %get3A_12, %broadcast_in_dim3A_55 : vector<16xi32>
      %select_n3A_57 = arith.select %gt3A_56, %get3A_53, %broadcast_in_dim3A_1 : vector<16xi1>, vector<16xi32>
      %gather3A_58 = tpu.vector_load_idx %arg9[%select_n3A_57] : memref<100352xf32, #tpu.memory_space<vmem>>[vector<16xi32>], vector<16xf32>,
      %add3A_59 = arith.addf %add3A_49, %gather3A_58 : vector<16xf32>
      %get3A_60 = arith.constant 5 : i32
      %get3A_61 = arith.index_cast %get3A_60 : i32 to index
      %get3A_62 = arith.index_cast %mul3A_11 : i32 to index
      %get3A_63 = tpu.vector_load %arg10[%get3A_61, %get3A_62] {strides = array<i32>} : memref<20x1024xi32, #tpu.memory_space<vmem>>, vector<16xi32>,
      %broadcast_in_dim3A_64 = arith.constant 6 : i32
      %broadcast_in_dim3A_65 = vector.broadcast %broadcast_in_dim3A_64 : i32 to vector<16xi32>
      %gt3A_66 = arith.cmpi sgt, %get3A_12, %broadcast_in_dim3A_65 : vector<16xi32>
      %select_n3A_67 = arith.select %gt3A_66, %get3A_63, %broadcast_in_dim3A_1 : vector<16xi1>, vector<16xi32>
      %gather3A_68 = tpu.vector_load_idx %arg9[%select_n3A_67] : memref<100352xf32, #tpu.memory_space<vmem>>[vector<16xi32>], vector<16xf32>,
      %add3A_69 = arith.addf %add3A_59, %gather3A_68 : vector<16xf32>
      %get3A_70 = arith.constant 6 : i32
      %get3A_71 = arith.index_cast %get3A_70 : i32 to index
      %get3A_72 = arith.index_cast %mul3A_11 : i32 to index
      %get3A_73 = tpu.vector_load %arg10[%get3A_71, %get3A_72] {strides = array<i32>} : memref<20x1024xi32, #tpu.memory_space<vmem>>, vector<16xi32>,
      %broadcast_in_dim3A_74 = arith.constant 7 : i32
      %broadcast_in_dim3A_75 = vector.broadcast %broadcast_in_dim3A_74 : i32 to vector<16xi32>
      %gt3A_76 = arith.cmpi sgt, %get3A_12, %broadcast_in_dim3A_75 : vector<16xi32>
      %select_n3A_77 = arith.select %gt3A_76, %get3A_73, %broadcast_in_dim3A_1 : vector<16xi1>, vector<16xi32>
      %gather3A_78 = tpu.vector_load_idx %arg9[%select_n3A_77] : memref<100352xf32, #tpu.memory_space<vmem>>[vector<16xi32>], vector<16xf32>,
      %add3A_79 = arith.addf %add3A_69, %gather3A_78 : vector<16xf32>
      %get3A_80 = arith.constant 7 : i32
      %get3A_81 = arith.index_cast %get3A_80 : i32 to index
      %get3A_82 = arith.index_cast %mul3A_11 : i32 to index
      %get3A_83 = tpu.vector_load %arg10[%get3A_81, %get3A_82] {strides = array<i32>} : memref<20x1024xi32, #tpu.memory_space<vmem>>, vector<16xi32>,
      %broadcast_in_dim3A_84 = arith.constant 8 : i32
      %broadcast_in_dim3A_85 = vector.broadcast %broadcast_in_dim3A_84 : i32 to vector<16xi32>
      %gt3A_86 = arith.cmpi sgt, %get3A_12, %broadcast_in_dim3A_85 : vector<16xi32>
      %select_n3A_87 = arith.select %gt3A_86, %get3A_83, %broadcast_in_dim3A_1 : vector<16xi1>, vector<16xi32>
      %gather3A_88 = tpu.vector_load_idx %arg9[%select_n3A_87] : memref<100352xf32, #tpu.memory_space<vmem>>[vector<16xi32>], vector<16xf32>,
      %add3A_89 = arith.addf %add3A_79, %gather3A_88 : vector<16xf32>
      %get3A_90 = arith.constant 8 : i32
      %get3A_91 = arith.index_cast %get3A_90 : i32 to index
      %get3A_92 = arith.index_cast %mul3A_11 : i32 to index
      %get3A_93 = tpu.vector_load %arg10[%get3A_91, %get3A_92] {strides = array<i32>} : memref<20x1024xi32, #tpu.memory_space<vmem>>, vector<16xi32>,
      %broadcast_in_dim3A_94 = arith.constant 9 : i32
      %broadcast_in_dim3A_95 = vector.broadcast %broadcast_in_dim3A_94 : i32 to vector<16xi32>
      %gt3A_96 = arith.cmpi sgt, %get3A_12, %broadcast_in_dim3A_95 : vector<16xi32>
      %select_n3A_97 = arith.select %gt3A_96, %get3A_93, %broadcast_in_dim3A_1 : vector<16xi1>, vector<16xi32>
      %gather3A_98 = tpu.vector_load_idx %arg9[%select_n3A_97] : memref<100352xf32, #tpu.memory_space<vmem>>[vector<16xi32>], vector<16xf32>,
      %add3A_99 = arith.addf %add3A_89, %gather3A_98 : vector<16xf32>
      %get3A_100 = arith.constant 9 : i32
      %get3A_101 = arith.index_cast %get3A_100 : i32 to index
      %get3A_102 = arith.index_cast %mul3A_11 : i32 to index
      %get3A_103 = tpu.vector_load %arg10[%get3A_101, %get3A_102] {strides = array<i32>} : memref<20x1024xi32, #tpu.memory_space<vmem>>, vector<16xi32>,
      %broadcast_in_dim3A_104 = arith.constant 10 : i32
      %broadcast_in_dim3A_105 = vector.broadcast %broadcast_in_dim3A_104 : i32 to vector<16xi32>
      %gt3A_106 = arith.cmpi sgt, %get3A_12, %broadcast_in_dim3A_105 : vector<16xi32>
      %select_n3A_107 = arith.select %gt3A_106, %get3A_103, %broadcast_in_dim3A_1 : vector<16xi1>, vector<16xi32>
      %gather3A_108 = tpu.vector_load_idx %arg9[%select_n3A_107] : memref<100352xf32, #tpu.memory_space<vmem>>[vector<16xi32>], vector<16xf32>,
      %add3A_109 = arith.addf %add3A_99, %gather3A_108 : vector<16xf32>
      %get3A_110 = arith.constant 10 : i32
      %get3A_111 = arith.index_cast %get3A_110 : i32 to index
      %get3A_112 = arith.index_cast %mul3A_11 : i32 to index
      %get3A_113 = tpu.vector_load %arg10[%get3A_111, %get3A_112] {strides = array<i32>} : memref<20x1024xi32, #tpu.memory_space<vmem>>, vector<16xi32>,
      %broadcast_in_dim3A_114 = arith.constant 11 : i32
      %broadcast_in_dim3A_115 = vector.broadcast %broadcast_in_dim3A_114 : i32 to vector<16xi32>
      %gt3A_116 = arith.cmpi sgt, %get3A_12, %broadcast_in_dim3A_115 : vector<16xi32>
      %select_n3A_117 = arith.select %gt3A_116, %get3A_113, %broadcast_in_dim3A_1 : vector<16xi1>, vector<16xi32>
      %gather3A_118 = tpu.vector_load_idx %arg9[%select_n3A_117] : memref<100352xf32, #tpu.memory_space<vmem>>[vector<16xi32>], vector<16xf32>,
      %add3A_119 = arith.addf %add3A_109, %gather3A_118 : vector<16xf32>
      %get3A_120 = arith.constant 11 : i32
      %get3A_121 = arith.index_cast %get3A_120 : i32 to index
      %get3A_122 = arith.index_cast %mul3A_11 : i32 to index
      %get3A_123 = tpu.vector_load %arg10[%get3A_121, %get3A_122] {strides = array<i32>} : memref<20x1024xi32, #tpu.memory_space<vmem>>, vector<16xi32>,
      %broadcast_in_dim3A_124 = arith.constant 12 : i32
      %broadcast_in_dim3A_125 = vector.broadcast %broadcast_in_dim3A_124 : i32 to vector<16xi32>
      %gt3A_126 = arith.cmpi sgt, %get3A_12, %broadcast_in_dim3A_125 : vector<16xi32>
      %select_n3A_127 = arith.select %gt3A_126, %get3A_123, %broadcast_in_dim3A_1 : vector<16xi1>, vector<16xi32>
      %gather3A_128 = tpu.vector_load_idx %arg9[%select_n3A_127] : memref<100352xf32, #tpu.memory_space<vmem>>[vector<16xi32>], vector<16xf32>,
      %add3A_129 = arith.addf %add3A_119, %gather3A_128 : vector<16xf32>
      %get3A_130 = arith.constant 12 : i32
      %get3A_131 = arith.index_cast %get3A_130 : i32 to index
      %get3A_132 = arith.index_cast %mul3A_11 : i32 to index
      %get3A_133 = tpu.vector_load %arg10[%get3A_131, %get3A_132] {strides = array<i32>} : memref<20x1024xi32, #tpu.memory_space<vmem>>, vector<16xi32>,
      %broadcast_in_dim3A_134 = arith.constant 13 : i32
      %broadcast_in_dim3A_135 = vector.broadcast %broadcast_in_dim3A_134 : i32 to vector<16xi32>
      %gt3A_136 = arith.cmpi sgt, %get3A_12, %broadcast_in_dim3A_135 : vector<16xi32>
      %select_n3A_137 = arith.select %gt3A_136, %get3A_133, %broadcast_in_dim3A_1 : vector<16xi1>, vector<16xi32>
      %gather3A_138 = tpu.vector_load_idx %arg9[%select_n3A_137] : memref<100352xf32, #tpu.memory_space<vmem>>[vector<16xi32>], vector<16xf32>,
      %add3A_139 = arith.addf %add3A_129, %gather3A_138 : vector<16xf32>
      %get3A_140 = arith.constant 13 : i32
      %get3A_141 = arith.index_cast %get3A_140 : i32 to index
      %get3A_142 = arith.index_cast %mul3A_11 : i32 to index
      %get3A_143 = tpu.vector_load %arg10[%get3A_141, %get3A_142] {strides = array<i32>} : memref<20x1024xi32, #tpu.memory_space<vmem>>, vector<16xi32>,
      %broadcast_in_dim3A_144 = arith.constant 14 : i32
      %broadcast_in_dim3A_145 = vector.broadcast %broadcast_in_dim3A_144 : i32 to vector<16xi32>
      %gt3A_146 = arith.cmpi sgt, %get3A_12, %broadcast_in_dim3A_145 : vector<16xi32>
      %select_n3A_147 = arith.select %gt3A_146, %get3A_143, %broadcast_in_dim3A_1 : vector<16xi1>, vector<16xi32>
      %gather3A_148 = tpu.vector_load_idx %arg9[%select_n3A_147] : memref<100352xf32, #tpu.memory_space<vmem>>[vector<16xi32>], vector<16xf32>,
      %add3A_149 = arith.addf %add3A_139, %gather3A_148 : vector<16xf32>
      %get3A_150 = arith.constant 14 : i32
      %get3A_151 = arith.index_cast %get3A_150 : i32 to index
      %get3A_152 = arith.index_cast %mul3A_11 : i32 to index
      %get3A_153 = tpu.vector_load %arg10[%get3A_151, %get3A_152] {strides = array<i32>} : memref<20x1024xi32, #tpu.memory_space<vmem>>, vector<16xi32>,
      %broadcast_in_dim3A_154 = arith.constant 15 : i32
      %broadcast_in_dim3A_155 = vector.broadcast %broadcast_in_dim3A_154 : i32 to vector<16xi32>
      %gt3A_156 = arith.cmpi sgt, %get3A_12, %broadcast_in_dim3A_155 : vector<16xi32>
      %select_n3A_157 = arith.select %gt3A_156, %get3A_153, %broadcast_in_dim3A_1 : vector<16xi1>, vector<16xi32>
      %gather3A_158 = tpu.vector_load_idx %arg9[%select_n3A_157] : memref<100352xf32, #tpu.memory_space<vmem>>[vector<16xi32>], vector<16xf32>,
      %add3A_159 = arith.addf %add3A_149, %gather3A_158 : vector<16xf32>
      %get3A_160 = arith.constant 15 : i32
      %get3A_161 = arith.index_cast %get3A_160 : i32 to index
      %get3A_162 = arith.index_cast %mul3A_11 : i32 to index
      %get3A_163 = tpu.vector_load %arg10[%get3A_161, %get3A_162] {strides = array<i32>} : memref<20x1024xi32, #tpu.memory_space<vmem>>, vector<16xi32>,
      %broadcast_in_dim3A_164 = arith.constant 16 : i32
      %broadcast_in_dim3A_165 = vector.broadcast %broadcast_in_dim3A_164 : i32 to vector<16xi32>
      %gt3A_166 = arith.cmpi sgt, %get3A_12, %broadcast_in_dim3A_165 : vector<16xi32>
      %select_n3A_167 = arith.select %gt3A_166, %get3A_163, %broadcast_in_dim3A_1 : vector<16xi1>, vector<16xi32>
      %gather3A_168 = tpu.vector_load_idx %arg9[%select_n3A_167] : memref<100352xf32, #tpu.memory_space<vmem>>[vector<16xi32>], vector<16xf32>,
      %add3A_169 = arith.addf %add3A_159, %gather3A_168 : vector<16xf32>
      %get3A_170 = arith.constant 16 : i32
      %get3A_171 = arith.index_cast %get3A_170 : i32 to index
      %get3A_172 = arith.index_cast %mul3A_11 : i32 to index
      %get3A_173 = tpu.vector_load %arg10[%get3A_171, %get3A_172] {strides = array<i32>} : memref<20x1024xi32, #tpu.memory_space<vmem>>, vector<16xi32>,
      %broadcast_in_dim3A_174 = arith.constant 17 : i32
      %broadcast_in_dim3A_175 = vector.broadcast %broadcast_in_dim3A_174 : i32 to vector<16xi32>
      %gt3A_176 = arith.cmpi sgt, %get3A_12, %broadcast_in_dim3A_175 : vector<16xi32>
      %select_n3A_177 = arith.select %gt3A_176, %get3A_173, %broadcast_in_dim3A_1 : vector<16xi1>, vector<16xi32>
      %gather3A_178 = tpu.vector_load_idx %arg9[%select_n3A_177] : memref<100352xf32, #tpu.memory_space<vmem>>[vector<16xi32>], vector<16xf32>,
      %add3A_179 = arith.addf %add3A_169, %gather3A_178 : vector<16xf32>
      %get3A_180 = arith.constant 17 : i32
      %get3A_181 = arith.index_cast %get3A_180 : i32 to index
      %get3A_182 = arith.index_cast %mul3A_11 : i32 to index
      %get3A_183 = tpu.vector_load %arg10[%get3A_181, %get3A_182] {strides = array<i32>} : memref<20x1024xi32, #tpu.memory_space<vmem>>, vector<16xi32>,
      %broadcast_in_dim3A_184 = arith.constant 18 : i32
      %broadcast_in_dim3A_185 = vector.broadcast %broadcast_in_dim3A_184 : i32 to vector<16xi32>
      %gt3A_186 = arith.cmpi sgt, %get3A_12, %broadcast_in_dim3A_185 : vector<16xi32>
      %select_n3A_187 = arith.select %gt3A_186, %get3A_183, %broadcast_in_dim3A_1 : vector<16xi1>, vector<16xi32>
      %gather3A_188 = tpu.vector_load_idx %arg9[%select_n3A_187] : memref<100352xf32, #tpu.memory_space<vmem>>[vector<16xi32>], vector<16xf32>,
      %add3A_189 = arith.addf %add3A_179, %gather3A_188 : vector<16xf32>
      %get3A_190 = arith.constant 18 : i32
      %get3A_191 = arith.index_cast %get3A_190 : i32 to index
      %get3A_192 = arith.index_cast %mul3A_11 : i32 to index
      %get3A_193 = tpu.vector_load %arg10[%get3A_191, %get3A_192] {strides = array<i32>} : memref<20x1024xi32, #tpu.memory_space<vmem>>, vector<16xi32>,
      %broadcast_in_dim3A_194 = arith.constant 19 : i32
      %broadcast_in_dim3A_195 = vector.broadcast %broadcast_in_dim3A_194 : i32 to vector<16xi32>
      %gt3A_196 = arith.cmpi sgt, %get3A_12, %broadcast_in_dim3A_195 : vector<16xi32>
      %select_n3A_197 = arith.select %gt3A_196, %get3A_193, %broadcast_in_dim3A_1 : vector<16xi1>, vector<16xi32>
      %gather3A_198 = tpu.vector_load_idx %arg9[%select_n3A_197] : memref<100352xf32, #tpu.memory_space<vmem>>[vector<16xi32>], vector<16xf32>,
      %add3A_199 = arith.addf %add3A_189, %gather3A_198 : vector<16xf32>
      %get3A_200 = arith.constant 19 : i32
      %get3A_201 = arith.index_cast %get3A_200 : i32 to index
      %get3A_202 = arith.index_cast %mul3A_11 : i32 to index
      %get3A_203 = tpu.vector_load %arg10[%get3A_201, %get3A_202] {strides = array<i32>} : memref<20x1024xi32, #tpu.memory_space<vmem>>, vector<16xi32>,
      %broadcast_in_dim3A_204 = arith.constant 20 : i32
      %broadcast_in_dim3A_205 = vector.broadcast %broadcast_in_dim3A_204 : i32 to vector<16xi32>
      %gt3A_206 = arith.cmpi sgt, %get3A_12, %broadcast_in_dim3A_205 : vector<16xi32>
      %select_n3A_207 = arith.select %gt3A_206, %get3A_203, %broadcast_in_dim3A_1 : vector<16xi1>, vector<16xi32>
      %gather3A_208 = tpu.vector_load_idx %arg9[%select_n3A_207] : memref<100352xf32, #tpu.memory_space<vmem>>[vector<16xi32>], vector<16xf32>,
      %add3A_209 = arith.addf %add3A_199, %gather3A_208 : vector<16xf32>
      %get3A_210 = arith.index_cast %mul3A_11 : i32 to index
      %get3A_211 = tpu.vector_load %arg12[%get3A_210] {strides = array<i32>} : memref<1024xi32, #tpu.memory_space<vmem>>, vector<16xi32>,
      %get3A_212 = arith.index_cast %mul3A_11 : i32 to index
      %get3A_213 = tpu.vector_load %arg13[%get3A_212] {strides = array<i32>} : memref<1024xi32, #tpu.memory_space<vmem>>, vector<16xi32>,
      %eq3A = arith.cmpi eq, %get3A_211, %get3A_213 : vector<16xi32>
      %get3A_214 = arith.index_cast %mul3A_11 : i32 to index
      %get3A_215 = tpu.vector_load %arg14[%get3A_214] {strides = array<i32>} : memref<1024xf32, #tpu.memory_space<vmem>>, vector<16xf32>,
      %select_n3A_216 = arith.select %eq3A, %get3A_215, %broadcast_in_dim3A_3 : vector<16xi1>, vector<16xf32>
      %mul3A_217 = arith.mulf %add3A_209, %select_n3A_216 : vector<16xf32>
      %swap3A = arith.index_cast %mul3A_11 : i32 to index
      %swap3A_218 = tpu.vector_load %arg15[%swap3A] {strides = array<i32>} : memref<1024xf32, #tpu.memory_space<vmem>>, vector<16xf32>,
      tpu.vector_store %arg15[%swap3A], %mul3A_217 {strides = array<i32>} : memref<1024xf32, #tpu.memory_space<vmem>>, vector<16xf32>,
    }
    %scan3A_8 = arith.constant 64 : i32
    "tpu.region"() ({
      %run_scoped3A = tpu.sem_alloc : memref<!tpu.dma_semaphore, #tpu.memory_space<semaphore_mem>>
      %dma_start3A = arith.constant 0 : i32
      %dma_start3A_9 = tpu.memref_slice %arg8[%add3A, %dma_start3A] : memref<32x1024xf32, #tpu.memory_space<hbm>> -> memref<1x1024xf32, #tpu.memory_space<hbm>>
      %dma_start3A_10 = tpu.memref_squeeze %dma_start3A_9 : memref<1x1024xf32, #tpu.memory_space<hbm>> -> memref<1024xf32, #tpu.memory_space<hbm>>
      %dma_start3A_11 = arith.constant 0 : i32
      %dma_start3A_12 = tpu.memref_slice %arg8[%add3A, %dma_start3A_11] : memref<32x1024xf32, #tpu.memory_space<hbm>> -> memref<1x1024xf32, #tpu.memory_space<hbm>>
      %dma_start3A_13 = tpu.memref_squeeze %dma_start3A_12 : memref<1x1024xf32, #tpu.memory_space<hbm>> -> memref<1024xf32, #tpu.memory_space<hbm>>
      tpu.enqueue_dma source(%arg15 : memref<1024xf32, #tpu.memory_space<vmem>>) target(%dma_start3A_13 : memref<1024xf32, #tpu.memory_space<hbm>>) target_semaphore(%run_scoped3A : memref<!tpu.dma_semaphore, #tpu.memory_space<semaphore_mem>>)
      %dma_wait3A = arith.constant 0 : i32
      %dma_wait3A_14 = tpu.memref_slice %arg8[%add3A, %dma_wait3A] : memref<32x1024xf32, #tpu.memory_space<hbm>> -> memref<1x1024xf32, #tpu.memory_space<hbm>>
      %dma_wait3A_15 = tpu.memref_squeeze %dma_wait3A_14 : memref<1x1024xf32, #tpu.memory_space<hbm>> -> memref<1024xf32, #tpu.memory_space<hbm>>
      %dma_wait3A_16 = arith.constant 0 : i32
      %dma_wait3A_17 = tpu.memref_slice %arg8[%add3A, %dma_wait3A_16] : memref<32x1024xf32, #tpu.memory_space<hbm>> -> memref<1x1024xf32, #tpu.memory_space<hbm>>
      %dma_wait3A_18 = tpu.memref_squeeze %dma_wait3A_17 : memref<1x1024xf32, #tpu.memory_space<hbm>> -> memref<1024xf32, #tpu.memory_space<hbm>>
      tpu.wait_dma2 semaphore(%run_scoped3A : memref<!tpu.dma_semaphore, #tpu.memory_space<semaphore_mem>>) src(%arg15 : memref<1024xf32, #tpu.memory_space<vmem>>) dst(%dma_wait3A_18 : memref<1024xf32, #tpu.memory_space<hbm>>)
      tpu.yield
    }) : () -> ()
    return
  }
}

module attributes {stable_mosaic.version = 14 : i64} {
  func.func @_project_body(%arg0: i32, %arg1: memref<1024x128xf32, #tpu.memory_space<vmem>>, %arg2: memref<1x128xf32, #tpu.memory_space<vmem>>, %arg3: memref<1x1xf32, #tpu.memory_space<vmem>>, %arg4: memref<1024xf32, #tpu.memory_space<vmem>>) attributes {dimension_semantics = [#tpu.dimension_semantics<arbitrary>], iteration_bounds = array<i64: 98>, scalar_prefetch = 0 : i64, scratch_operands = 0 : i64, tpu.core_type = #tpu.core_type<tc>, window_params = [{transform_indices = @transform_0, window_bounds = array<i64: 1024, 128>}, {pipeline_mode = #tpu.pipeline_mode<synchronous>, transform_indices = @transform_1, window_bounds = array<i64: 1, 128>}, {pipeline_mode = #tpu.pipeline_mode<synchronous>, transform_indices = @transform_2, window_bounds = array<i64: 1, 1>}, {transform_indices = @transform_3, window_bounds = array<i64: 1024>}]} {
    %get3A = arith.constant 0 : index
    %get3A_0 = arith.constant 0 : index
    %get3A_1 = vector.load %arg1[%get3A, %get3A_0] : memref<1024x128xf32, #tpu.memory_space<vmem>>, vector<1024x128xf32>
    %get3A_2 = arith.constant 0 : index
    %get3A_3 = arith.constant 0 : index
    %get3A_4 = vector.load %arg2[%get3A_2, %get3A_3] : memref<1x128xf32, #tpu.memory_space<vmem>>, vector<1x128xf32>
    %mul3A = vector.broadcast %get3A_4 : vector<1x128xf32> to vector<1024x128xf32>
    %mul3A_5 = arith.mulf %get3A_1, %mul3A : vector<1024x128xf32>
    %reduce_sum3A = arith.constant dense<0.000000e+00> : vector<1024xf32>
    %reduce_sum3A_6 = vector.multi_reduction <add>, %mul3A_5, %reduce_sum3A [1] : vector<1024x128xf32> to vector<1024xf32>
    %get3A_7 = arith.constant 0 : index
    %get3A_8 = arith.constant 0 : index
    %get3A_9 = vector.load %arg3[%get3A_7, %get3A_8] : memref<1x1xf32, #tpu.memory_space<vmem>>, vector<1x1xf32>
    %get3A_10 = vector.extract %get3A_9[0, 0] : f32 from vector<1x1xf32>
    %add3A = vector.broadcast %get3A_10 : f32 to vector<1024xf32>
    %add3A_11 = arith.addf %reduce_sum3A_6, %add3A : vector<1024xf32>
    %swap3A = arith.constant 0 : index
    %swap3A_12 = vector.load %arg4[%swap3A] : memref<1024xf32, #tpu.memory_space<vmem>>, vector<1024xf32>
    tpu.vector_store %arg4[%swap3A], %add3A_11 {strides = array<i32>} : memref<1024xf32, #tpu.memory_space<vmem>>, vector<1024xf32>,
    return
  }
  func.func @transform_0(%arg0: i32) -> (i32, i32) {
    %c0_i32 = arith.constant 0 : i32
    %c0_i32_0 = arith.constant 0 : i32
    return %arg0, %c0_i32 : i32, i32
  }
  func.func @transform_1(%arg0: i32) -> (i32, i32) {
    %c0_i32 = arith.constant 0 : i32
    %c0_i32_0 = arith.constant 0 : i32
    %c0_i32_1 = arith.constant 0 : i32
    return %c0_i32, %c0_i32_0 : i32, i32
  }
  func.func @transform_2(%arg0: i32) -> (i32, i32) {
    %c0_i32 = arith.constant 0 : i32
    %c0_i32_0 = arith.constant 0 : i32
    %c0_i32_1 = arith.constant 0 : i32
    return %c0_i32, %c0_i32_0 : i32, i32
  }
  func.func @transform_3(%arg0: i32) -> i32 {
    %c0_i32 = arith.constant 0 : i32
    return %arg0 : i32
  }
}

module attributes {stable_mosaic.version = 14 : i64} {
  func.func @_lsm_body(%arg0: memref<4096x8xf32, #tpu.memory_space<vmem>>, %arg1: memref<4096x8xf32, #tpu.memory_space<vmem>>) attributes {dimension_semantics = [], scalar_prefetch = 0 : i64, scratch_operands = 0 : i64, tpu.core_type = #tpu.core_type<tc>} {
    %get3A = arith.constant 0 : index
    %get3A_0 = arith.constant 0 : index
    %get3A_1 = vector.load %arg0[%get3A, %get3A_0] : memref<4096x8xf32, #tpu.memory_space<vmem>>, vector<4096x8xf32>
    %reduce_max3A = arith.constant dense<0xFF800000> : vector<4096xf32>
    %reduce_max3A_2 = vector.multi_reduction <maximumf>, %get3A_1, %reduce_max3A [1] : vector<4096x8xf32> to vector<4096xf32>
    %broadcast_in_dim3A = vector.shape_cast %reduce_max3A_2 : vector<4096xf32> to vector<4096x1xf32>
    %sub3A = vector.broadcast %broadcast_in_dim3A : vector<4096x1xf32> to vector<4096x8xf32>
    %sub3A_3 = arith.subf %get3A_1, %sub3A : vector<4096x8xf32>
    %exp3A = math.exp %sub3A_3 : vector<4096x8xf32>
    %reduce_sum3A = arith.constant dense<0.000000e+00> : vector<4096xf32>
    %reduce_sum3A_4 = vector.multi_reduction <add>, %exp3A, %reduce_sum3A [1] : vector<4096x8xf32> to vector<4096xf32>
    %broadcast_in_dim3A_5 = vector.shape_cast %reduce_sum3A_4 : vector<4096xf32> to vector<4096x1xf32>
    %log3A = math.log %broadcast_in_dim3A_5 : vector<4096x1xf32>
    %add3A = arith.addf %log3A, %broadcast_in_dim3A : vector<4096x1xf32>
    %sub3A_6 = vector.broadcast %add3A : vector<4096x1xf32> to vector<4096x8xf32>
    %sub3A_7 = arith.subf %get3A_1, %sub3A_6 : vector<4096x8xf32>
    %swap3A = arith.constant 0 : index
    %swap3A_8 = arith.constant 0 : index
    %swap3A_9 = vector.load %arg1[%swap3A, %swap3A_8] : memref<4096x8xf32, #tpu.memory_space<vmem>>, vector<4096x8xf32>
    tpu.vector_store %arg1[%swap3A, %swap3A_8], %sub3A_7 {strides = array<i32>} : memref<4096x8xf32, #tpu.memory_space<vmem>>, vector<4096x8xf32>,
    return
  }
}

</mosaic_0001>

<sc_bundles>
// kernel: kernel.5.cloned.1.call-start
scs
__scs_entry_jumppad:
0x0: {  	(pc) =	sbr.rel $0x88, $3  }
0x1: {  	(tag) =	ssettag $0x0;
	lr =	simm.s32 $0x1  }
0x2: {  	[smem:$0x3F99] =	sst lr;
	_ =	strace $0xD0000000  }
0x3: {  	_ = 	snop  }
0x4: {  	_ = 	snop  }
0x5: {  	_ = 	snop  }
0x6: {  	_ = 	snop  }
0x7: {  	_ = 	snop  }
__scs_overlays_trampoline_lowered:
0x8: {  	[smem:$0x3FA8] =	sst s0  }
0x9: {  	[smem:$0x3FA9] =	sst s1  }
0xa: {  	[smem:$0x3FAA] =	sst s2  }
0xb: {  	[smem:$0x3FAB] =	sst s3  }
0xc: {  	[smem:$0x3FAC] =	sst s4  }
0xd: {  	[smem:$0x3FAD] =	sst s5  }
0xe: {  	[smem:$0x3FAE] =	sst s6  }
0xf: {  	[smem:$0x3FAF] =	sst s7  }
0x10: {  	[smem:$0x3FB0] =	sst s8  }
0x11: {  	[smem:$0x3FB1] =	sst s9;
	s0 =	simm.s32 @!p0 $0x0  }
0x12: {  	s1 =	sld [smem:$0x3F97];
	s0 =	simm.s32 @p0 $0x1  }
0x13: {  	[smem:$0x3FB2] =	sst s0;
	s0 =	simm.s32 @!p1 $0x0  }
0x14: {  	s2 =	sld [smem:$0x3F96];
	s0 =	simm.s32 @p1 $0x1  }
0x15: {  	[smem:$0x3FB3] =	sst s0;
	s0 =	simm.s32 @!p2 $0x0  }
0x16: {  	s3 =	sld [smem:$0x3FDB];
	s0 =	simm.s32 @p2 $0x1  }
0x17: {  	s4 =	simm.s32 $0x1BF5;
	[smem:$0x3FB5] =	sst s0  }
0x18: {  	s0 =	sld [smem:$0x3F98];
	_ =	swait.ge [sflag:s4], $0x0  }
0x19: {  	s7 =	sld [smem:$0x3F99]  }
0x1a: {  	s8 =	sadd.s32 $0xFFFFE003, lr  }
0x1b: {  	s9 =	sadd.s32 $0xFFFFFEF7, lr;
	s5 =	simm.s32 $0xFFFFFFFF;
	p2 =	slt.u32 s8, $0xFFFFF086  }
0x1c: {  	p1 =	slt.u32 s9, $0xF7A;
	s5 =	simm.s32 @!p2 $0x0  }
0x1d: {  	s5 =	simm.s32 @p1 $0x1;
	p0 =	seq.s32 s7, s2  }
0x1e: {  	s7 =	smul.u32 @!p0 $0xF7A, s2;
	p2 =	seq.s32 @!p0 s5, $0x0  }
0x1f: {  	s9 =	smul.u32 $0xF7A, s1;
	s8 =	simm.s32 @!p0 $0x1BF5;
	p2 =	por !p2, p0  }
0x20: {  	[sflag:s8] =	ssyncset.s32 @!p0 $0xFFFFF086;
	s6 =	sadd.s32 @!p0 s3, s7;
	s7 =	simm.s32 @!p0 $0x108  }
0x21: {  	s3 =	sadd.s32 s3, s9;
	s6 =	sadd.s32 @!p0 $0x88, s6;
	s7 =	simm.s32 @p2 $0x1082  }
0x22: {  	[simem:s7], [sflag:s8] =	dma.local @!p0 [hbm:s6], $0xF7A  }
0x23: {  	s9 =	sor.u32 $0xD0000000, s2;
	s6 =	simm.s32 $0x108;
	_ =	swait.ge @!p0 [sflag:s8], $0x0  }
0x24: {  	s3 =	sadd.s32 $0x88, s3;
	s6 =	simm.s32 @!p1 $0x1082;
	[sflag:s4] =	ssyncset.s32 $0xFFFFF086  }
0x25: {  	[simem:s6], [sflag:s4] =	dma.local [hbm:s3], $0xF7A  }
0x26: {  	[smem:$0x3F99] =	sst s1;
	(tag) =	ssettag s2;
	_ =	strace s9  }
0x27: {  	s1 =	sld [smem:$0x3FA9]  }
0x28: {  	s2 =	sld [smem:$0x3FAA]  }
0x29: {  	s4 =	sld [smem:$0x3FAC]  }
0x2a: {  	p0 =	seq.s32 s5, $0x0;
	s5 =	sld [smem:$0x3FAD]  }
0x2b: {  	s6 =	sld [smem:$0x3FAE]  }
0x2c: {  	s7 =	sld [smem:$0x3FAF]  }
0x2d: {  	s3 =	simm.s32 $0x108;
	s8 =	sld [smem:$0x3FB0]  }
0x2e: {  	s3 =	simm.s32 @!p0 $0x1082;
	s9 =	sld [smem:$0x3FB1]  }
0x2f: {  	lr =	sadd.s32 s0, s3;
	s0 =	sld [smem:$0x3FA8]  }
0x30: {  	s3 =	sld [smem:$0x3FAB]  }
0x31: {  	[smem:$0x3FB4] =	sst s10  }
0x32: {  	s10 =	sld [smem:$0x3FB2];
	_ =	sdelay $0x3  }
0x33: {  	p0 =	seq.s32 s10, $0x1;
	s10 =	sld [smem:$0x3FB4];
	_ =	sdelay $0x3  }
0x34: {  	[smem:$0x3FB4] =	sst s10  }
0x35: {  	s10 =	sld [smem:$0x3FB3];
	_ =	sdelay $0x3  }
0x36: {  	p1 =	seq.s32 s10, $0x1;
	s10 =	sld [smem:$0x3FB4];
	_ =	sdelay $0x3  }
0x37: {  	[smem:$0x3FB4] =	sst s10  }
0x38: {  	s10 =	sld [smem:$0x3FB5]  }
0x39: {  	_ = 	snop;
	(pc) =	sbr.ind lr, $3  }
0x3a: {  	_ = 	snop  }
0x3b: {  	_ = 	snop  }
0x3c: {  	p2 =	seq.s32 s10, $0x1;
	s10 =	sld [smem:$0x3FB4]  }
0x3d: {  	_ =	shalt  }
0x3e: {  	_ =	shalt  }
0x3f: {  	_ =	shalt  }
0x40: {  	_ =	shalt  }
0x41: {  	_ =	shalt  }
0x42: {  	_ =	shalt  }
0x43: {  	_ =	shalt  }
0x44: {  	_ =	shalt  }
0x45: {  	_ =	shalt  }
0x46: {  	_ =	shalt  }
0x47: {  	_ =	shalt  }
0x48: {  	_ =	shalt  }
0x49: {  	_ =	shalt  }
0x4a: {  	_ =	shalt  }
0x4b: {  	_ =	shalt  }
0x4c: {  	_ =	shalt  }
0x4d: {  	_ =	shalt  }
0x4e: {  	_ =	shalt  }
0x4f: {  	_ =	shalt  }
0x50: {  	_ =	shalt  }
0x51: {  	_ =	shalt  }
0x52: {  	_ =	shalt  }
0x53: {  	_ =	shalt  }
0x54: {  	_ =	shalt  }
0x55: {  	_ =	shalt  }
0x56: {  	_ =	shalt  }
0x57: {  	_ =	shalt  }
0x58: {  	_ =	shalt  }
0x59: {  	_ =	shalt  }
0x5a: {  	_ =	shalt  }
0x5b: {  	_ =	shalt  }
0x5c: {  	_ =	shalt  }
0x5d: {  	_ =	shalt  }
0x5e: {  	_ =	shalt  }
0x5f: {  	_ =	shalt  }
0x60: {  	_ =	shalt  }
0x61: {  	_ =	shalt  }
0x62: {  	_ =	shalt  }
0x63: {  	_ =	shalt  }
0x64: {  	_ =	shalt  }
0x65: {  	_ =	shalt  }
0x66: {  	_ =	shalt  }
0x67: {  	_ =	shalt  }
0x68: {  	_ =	shalt  }
0x69: {  	_ =	shalt  }
0x6a: {  	_ =	shalt  }
0x6b: {  	_ =	shalt  }
0x6c: {  	_ =	shalt  }
0x6d: {  	_ =	shalt  }
0x6e: {  	_ =	shalt  }
0x6f: {  	_ =	shalt  }
0x70: {  	_ =	shalt  }
0x71: {  	_ =	shalt  }
0x72: {  	_ =	shalt  }
0x73: {  	_ =	shalt  }
0x74: {  	_ =	shalt  }
0x75: {  	_ =	shalt  }
0x76: {  	_ =	shalt  }
0x77: {  	_ =	shalt  }
0x78: {  	_ =	shalt  }
0x79: {  	_ =	shalt  }
0x7a: {  	_ =	shalt  }
0x7b: {  	_ =	shalt  }
0x7c: {  	_ =	shalt  }
0x7d: {  	_ =	shalt  }
0x7e: {  	_ =	shalt  }
0x7f: {  	_ =	shalt  }
0x80: {  	_ =	shalt  }
0x81: {  	_ =	shalt  }
0x82: {  	_ =	shalt  }
0x83: {  	_ =	shalt  }
0x84: {  	_ =	shalt  }
0x85: {  	_ =	shalt  }
0x86: {  	_ =	shalt  }
0x87: {  	_ =	shalt  }
.Lfunc_end0:
.L_simem_size_0:
called_computation_lowered:
.L_overlay_start_0:
0x88: {  	s2 =	sld [smem:$0x3FD9]  }
0x89: {  	s3 =	sld [smem:$0x3FFE];
	_ =	sdelay $0x1  }
0x8a: {  	s1 =	srdreg.scid  }
0x8b: {  	s0 =	sand.u32 $0x1, s1  }
0x8c: {  	s17 =	sshll.u32 s0, $0xA;
	s2 =	sadd.s32 s3, s2  }
0x8d: {  	s2 =	sadd.s32 s2, s17  }
0x8e: {  	[smem:$0x3FC0] =	sst s2  }
0x8f: {  	_ = 	snop  }
0x90: {  	s2 =	sld [smem:$0x3FD0];
	(tm) =	ssettm $0x1  }
0x91: {  	s18 =	sld [smem:$0x3FFB];
	_ =	sdelay $0x3  }
0x92: {  	_ =	strace s18  }
0x93: {  	s3 =	sld [smem:$0x3FFC];
	_ =	sdelay $0x3  }
0x94: {  	_ =	strace s3  }
0x95: {  	s3 =	sld [smem:$0x3FFD];
	_ =	sdelay $0x3  }
0x96: {  	_ =	strace s3  }
0x97: {  	_ =	strace $0x8FFFFFFF  }
0x98: {  	s19 =	sld [smem:$0x3FDB];
	_ =	sdelay $0x1  }
0x99: {  	s4 =	simm.s32 $_scs_section_size  }
0x9a: {  	s5 =	simm.s32 $_size__tile_overlayer_lowered;
	s6 =	simm.s32 $_tile_overlayer_lowered  }
0x9b: {  	s22 =	simm.s32 $0x1BFF;
	s21 =	sshll.u32 s6, $0x1;
	s3 =	sadd.s32 s4, s19  }
0x9c: {  	s7 =	simm.s32 $0x0;
	s20 =	sshll.u32 s5, $0x1;
	s5 =	sadd.s32 s21, s3  }
0x9d: {  	[timem:s7], [sflag:s22] =	dma.local [hbm:s5], s20  }
0x9e: {  	_ =	swait.ge [sflag:s22], s20  }
0x9f: {  	s4 =	ssub.s32 $0x0, s20;
	[sflag:s22] =	ssyncset.done $0x0  }
0xa0: {  	[sflag:s22] =	ssyncadd.s32 s4;
	_ =	sdelay $0x1  }
0xa1: {  	s23 =	simm.s32 $0x1B8B  }
0xa2: {  	_ =	swait.ge [sflag:s23], $0x1  }
0xa3: {  	[sflag:s23] =	ssyncset.done $0x0  }
0xa4: {  	s25 =	simm.s32 $0x1B8E;
	s24 =	sld [smem:$0x3FFE];
	[sflag:s23] =	ssyncadd.s32 $0xFFFFFFFF  }
0xa5: {  	s26 =	simm.s32 $execute0_lowered;
	[smem:$0x3FD2] =	sst s25  }
0xa6: {  	s5 =	sshll.u32 s26, $0x1;
	_ =	strace $0x80000046;
	[dreg:$0x1] =	wrdreg $0xFFFFFFFF  }
0xa7: {  	s28 =	simm.s32 $_size_execute0_lowered;
	s3 =	sadd.s32 s3, s5;
	[dreg:$0x0] =	wrdreg $0x0  }
0xa8: {  	s5 =	sshll.u32 s28, $0x1;
	[dreg:$0x2] =	wrdreg s3  }
0xa9: {  	[dreg:$0x3] =	wrdreg s5  }
0xaa: {  	[dreg:$0x4] =	wrdreg $0xC0  }
0xab: {  	_ =	task [dreg:s7], $0x5FFFF  }
0xac: {  	[dreg:$0x1] =	wrdreg $0xFFFFFFFF  }
0xad: {  	[dreg:$0x0] =	wrdreg $0x60  }
0xae: {  	[dreg:$0x2] =	wrdreg s24  }
0xaf: {  	[dreg:$0x3] =	wrdreg s2  }
0xb0: {  	[dreg:$0x4] =	wrdreg $0x9  }
0xb1: {  	_ =	task.clear_ibuf [dreg:s7], $0x5FFFF;
	_ =	strace $0x90000046  }
0xb2: {  	s29 =	simm.s32 $0x9;
	_ =	strace $0x80000048  }
0xb3: {  	_ =	swait.ge [sflag:s29], $0x1  }
0xb4: {  	[sflag:s29] =	ssyncadd.s32 $0xFFFFFFFF  }
0xb5: {  	_ =	strace $0x90000048  }
0xb6: {  	_ =	sfence  }
0xb7: {  	s30 =	sld [smem:$0x0];
	_ =	sdelay $0x2  }
0xb8: {  	s31 =	sshll.u32 s1, $0xD;
	s1 =	sshrl.u32 s1, $0x2  }
0xb9: {  	s3 =	sand.u32 $0x4000, s31;
	s1 =	sadd.s32 s1, s30  }
0xba: {  	s0 =	sor.u32 s3, s0;
	s1 =	sshll.u32 s1, $0x11  }
0xbb: {  	s0 =	sor.u32 s1, s0  }
0xbc: {  	s0 =	sadd.s32 $0x8F2B, s0  }
0xbd: {  	[sflag:s0] =	ssyncadd.remote.s32 $0x1  }
0xbe: {  	_ =	sfence.sel $0xFFFF  }
0xbf: {  	[dreg:$0x0] =	wrdreg $0xFFFFFFFF;
	(pc) =	sbr.abs _section_cstart, $3  }
0xc0: {  	[dreg:$0x1] =	wrdreg $0xFFFFFFFF  }
0xc1: {  	_ =	task.clear_ibuf [dreg:s7], $0x2FFFF;
	_ =	strace $0x9FFFFFFF  }
0xc2: {  	(tm) =	ssettm $0x7FFFFFFF  }
0xc3: {  	_ =	shalt  }
tec
execute0_lowered:
.L_overlay_start_1:
0x0: {  	(tag) =	ssettag $0x1  }
0x1: {  	s4 =	rddreg [dreg:$0x0]  }
0x2: {  	s5 =	rddreg [dreg:$0x1]  }
0x3: {  	s0 =	rddreg [dreg:$0x2];
	s3 =	srdreg.scid  }
0x4: {  	s1 =	stileid.u32;
	s2 =	simm.s32 $0x0;
	s12 =	simm.s32 $0x18800  }
0x5: {  	s13 =	simm.s32 $0x1D800;
	s14 =	simm.s32 $0x1DC00;
	s15 =	simm.s32 $0x1E000  }
0x6: {  	s16 =	simm.s32 $0x1E400;
	s17 =	simm.s32 $0x1E800;
	s18 =	simm.s32 $0x0  }
0x7: {  	s3 =	sand.u32 $0x1, s3;
	s6 =	sshll.u32 s1, $0x1;
	[smem:$0x7FF] =	sst s2  }
0x8: {  	s6 =	sor.u32 s3, s6;
	_ =	strace $0x80000047;
	s8 =	ssub.s32 $0x2, s3  }
0x9: {  	s7 =	smul.u32 $0xA00, s6;
	s6 =	sshll.u32 s6, $0x7;
	s9 =	sshrl.u32 s8, $0x1  }
0xa: {  	s3 =	sadd.s32 $0x18000, s4;
	s10 =	sadd.s32 s6, s4;
	s11 =	ssub.s32 s8, s9  }
0xb: {  	s5 =	sadd.s32 s5, s6;
	s7 =	sadd.s32 s7, s4;
	s6 =	sadd.s32 $0x16000, s10  }
0xc: {  	s8 =	sadd.s32 $0x15000, s10;
	s9 =	sadd.s32 $0x1B200, s10;
	s4 =	sadd.s32 $0x1000, s7  }
0xd: {  	s7 =	sadd.s32 $0x17000, s10;
	s10 =	smax.u32 s11, $0x1;
	s11 =	simm.s32 $0x1  }
.LBB2_1:
0xe: {  	[tilespmem:s2], [sflag:$0x1] =	stream.linear.gather [hbm4b:s3+s2], $0x18800, $0x38;
	[tilespmem:$0x1EC00] =	vst v63  }
0xf: {  	_ =	swait.ge [sflag:s11], $0x18800  }
0x10: {  	[sflag:s11] =	ssyncset.done $0x0  }
0x11: {  	[sflag:s11] =	ssyncadd.s32 $0xFFFE7800  }
0x12: {  	[tilespmem:s12], [sflag:$0x1] =	stream.linear.gather [hbm4b:s4+s2], $0x5000, $0x38;
	[tilespmem:$0x1EC00] =	vst v63  }
0x13: {  	_ =	swait.ge [sflag:s11], $0x5000  }
0x14: {  	[sflag:s11] =	ssyncset.done $0x0  }
0x15: {  	[sflag:s11] =	ssyncadd.s32 $0xFFFFB000  }
0x16: {  	[tilespmem:s13], [sflag:$0x1] =	stream.linear.gather [hbm4b:s5+s2], $0x400, $0x38;
	[tilespmem:$0x1EC00] =	vst v63  }
0x17: {  	_ =	swait.ge [sflag:s11], $0x400  }
0x18: {  	[sflag:s11] =	ssyncset.done $0x0  }
0x19: {  	[sflag:s11] =	ssyncadd.s32 $0xFFFFFC00  }
0x1a: {  	[tilespmem:s14], [sflag:$0x1] =	stream.linear.gather [hbm4b:s6+s2], $0x400, $0x38;
	[tilespmem:$0x1EC00] =	vst v63  }
0x1b: {  	_ =	swait.ge [sflag:s11], $0x400  }
0x1c: {  	[sflag:s11] =	ssyncset.done $0x0  }
0x1d: {  	[sflag:s11] =	ssyncadd.s32 $0xFFFFFC00  }
0x1e: {  	[tilespmem:s15], [sflag:$0x1] =	stream.linear.gather [hbm4b:s7+s2], $0x400, $0x38;
	[tilespmem:$0x1EC00] =	vst v63  }
0x1f: {  	_ =	swait.ge [sflag:s11], $0x400  }
0x20: {  	[sflag:s11] =	ssyncset.done $0x0  }
0x21: {  	[sflag:s11] =	ssyncadd.s32 $0xFFFFFC00  }
0x22: {  	[tilespmem:s16], [sflag:$0x1] =	stream.linear.gather [hbm4b:s8+s2], $0x400, $0x38;
	[tilespmem:$0x1EC00] =	vst v63  }
0x23: {  	_ =	swait.ge [sflag:s11], $0x400  }
0x24: {  	[sflag:s11] =	ssyncset.done $0x0  }
0x25: {  	s19 =	simm.s32 $0x0;
	[sflag:s11] =	ssyncadd.s32 $0xFFFFFC00  }
0x26: {  	v0 =	vld [tilespmem:s19+$0x1D800]  }
0x27: {  	v1 =	vld [tilespmem:s19+$0x18800];
	_ =	sdelay $0x1  }
0x28: {  	v2 =	vld [tilespmem:s19+$0x18C00];
	_ =	sdelay $0x1  }
0x29: {  	v3 =	vld [tilespmem:s19+$0x19000];
	vm0 =	vgt.s32 v0, $0x1  }
0x2a: {  	v1 =	vnsel vm0, $0x0, v1  }
0x2b: {  	v4 =	vld [tilespmem:s19+$0x19400];
	vm9 =	vgt.s32 v0, $0x2  }
0x2c: {  	v5 =	vld [tilespmem:s19+$0x19800];
	v2 =	vnsel vm9, $0x0, v2  }
0x2d: {  	v6 =	vld [tilespmem:s19+$0x19C00];
	vm10 =	vgt.s32 v0, $0x3  }
0x2e: {  	v7 =	vld [tilespmem:s19+$0x1A000];
	v3 =	vnsel vm10, $0x0, v3  }
0x2f: {  	vm11 =	vgt.s32 v0, $0x4;
	v1 =	vld.idx.msk [tilespmem:v1+s2+$0x0], $0xffff  }
0x30: {  	v8 =	vld [tilespmem:s19+$0x1A400];
	v4 =	vnsel vm11, $0x0, v4  }
0x31: {  	vm12 =	vgt.s32 v0, $0x5;
	v2 =	vld.idx.msk [tilespmem:v2+s2+$0x0], $0xffff  }
0x32: {  	v9 =	vld [tilespmem:s19+$0x1A800];
	v5 =	vnsel vm12, $0x0, v5  }
0x33: {  	vm13 =	vgt.s32 v0, $0x6;
	v3 =	vld.idx.msk [tilespmem:v3+s2+$0x0], $0xffff  }
0x34: {  	v10 =	vld [tilespmem:s19+$0x1AC00];
	v6 =	vnsel vm13, $0x0, v6;
	v1 =	vadd.f32 $0.0e+00, v1  }
0x35: {  	vm14 =	vgt.s32 v0, $0x7;
	v4 =	vld.idx.msk [tilespmem:v4+s2+$0x0], $0xffff  }
0x36: {  	v59 =	vld [tilespmem:s19+$0x1B400];
	v7 =	vnsel vm14, $0x0, v7;
	v1 =	vadd.f32 v2, v1  }
0x37: {  	vm15 =	vgt.s32 v0, $0x8;
	v2 =	vld.idx.msk [tilespmem:v5+s2+$0x0], $0xffff  }
0x38: {  	v5 =	vnsel vm15, $0x0, v8;
	v8 =	vld [tilespmem:s19+$0x1B000];
	v1 =	vadd.f32 v3, v1  }
0x39: {  	vm4 =	vgt.s32 v0, $0x9;
	v3 =	vld.idx.msk [tilespmem:v6+s2+$0x0], $0xffff  }
0x3a: {  	v60 =	vld [tilespmem:s19+$0x1B800];
	v6 =	vnsel vm4, $0x0, v9;
	v1 =	vadd.f32 v4, v1  }
0x3b: {  	vm5 =	vgt.s32 v0, $0xA;
	v4 =	vld.idx.msk [tilespmem:v7+s2+$0x0], $0xffff  }
0x3c: {  	v61 =	vld [tilespmem:s19+$0x1C000];
	vm6 =	vgt.s32 v0, $0xB;
	v7 =	vnsel vm5, $0x0, v10;
	v1 =	vadd.f32 v2, v1  }
0x3d: {  	v2 =	vld.idx.msk [tilespmem:v5+s2+$0x0], $0xffff;
	v5 =	vnsel vm6, $0x0, v8  }
0x3e: {  	vm7 =	vgt.s32 v0, $0xC;
	v8 =	vld [tilespmem:s19+$0x1BC00];
	v1 =	vadd.f32 v3, v1  }
0x3f: {  	v3 =	vld.idx.msk [tilespmem:v6+s2+$0x0], $0xffff;
	v6 =	vnsel vm7, $0x0, v59  }
0x40: {  	v62 =	vld [tilespmem:s19+$0x1C400];
	v1 =	vadd.f32 v4, v1  }
0x41: {  	vm8 =	vgt.s32 v0, $0xD;
	v4 =	vld.idx.msk [tilespmem:v7+s2+$0x0], $0xffff  }
0x42: {  	v7 =	vnsel vm8, $0x0, v60;
	v1 =	vadd.f32 v2, v1;
	v2 =	vld.idx.msk [tilespmem:v5+s2+$0x0], $0xffff  }
0x43: {  	vm9 =	vgt.s32 v0, $0xE;
	v5 =	vld [tilespmem:s19+$0x1C800]  }
0x44: {  	v8 =	vnsel vm9, $0x0, v8;
	v1 =	vadd.f32 v3, v1;
	v3 =	vld.idx.msk [tilespmem:v6+s2+$0x0], $0xffff  }
0x45: {  	vm10 =	vgt.s32 v0, $0xF;
	v6 =	vld [tilespmem:s19+$0x1CC00]  }
0x46: {  	v9 =	vnsel vm10, $0x0, v61;
	v1 =	vadd.f32 v4, v1  }
0x47: {  	vm11 =	vgt.s32 v0, $0x10;
	v4 =	vld.idx.msk [tilespmem:v7+s2+$0x0], $0xffff  }
0x48: {  	v63 =	vld [tilespmem:s19+$0x1D000];
	vm12 =	vgt.s32 v0, $0x11;
	v7 =	vnsel vm11, $0x0, v62;
	v1 =	vadd.f32 v2, v1  }
0x49: {  	vm13 =	vgt.s32 v0, $0x12;
	v2 =	vnsel vm12, $0x0, v5;
	v5 =	vld.idx.msk [tilespmem:v8+s2+$0x0], $0xffff  }
0x4a: {  	v8 =	vld [tilespmem:s19+$0x1D400];
	v6 =	vnsel vm13, $0x0, v6;
	v1 =	vadd.f32 v3, v1  }
0x4b: {  	v9 =	vld.idx.msk [tilespmem:v9+s2+$0x0], $0xffff  }
0x4c: {  	vm14 =	vgt.s32 v0, $0x13;
	v1 =	vadd.f32 v4, v1  }
0x4d: {  	v10 =	vnsel vm14, $0x0, v63;
	v7 =	vld.idx.msk [tilespmem:v7+s2+$0x0], $0xffff  }
0x4e: {  	vm15 =	vgt.s32 v0, $0x14;
	v3 =	vld.idx.msk [tilespmem:v2+s2+$0x0], $0xffff;
	v2 =	vadd.f32 v5, v1  }
0x4f: {  	s20 =	simm.s32 $0x10;
	v4 =	vld.idx.msk [tilespmem:v6+s2+$0x0], $0xffff;
	v6 =	vnsel vm15, $0x0, v8  }
0x50: {  	v0 =	vld [tilespmem:s20+$0x1D800];
	v9 =	vadd.f32 v9, v2  }
0x51: {  	v1 =	vld [tilespmem:s19+$0x1DC00]  }
0x52: {  	v5 =	vld.idx.msk [tilespmem:v10+s2+$0x0], $0xffff;
	v7 =	vadd.f32 v7, v9  }
0x53: {  	s21 =	simm.s32 $0x80;
	v2 =	vld [tilespmem:s19+$0x1E000]  }
.LBB2_2:
0x54: {  	p0 =	sne.s32 s21, $0xFC0;
	v3 =	vadd.f32 v3, v7;
	v6 =	vld.idx.msk [tilespmem:v6+s2+$0x0], $0xffff  }
0x55: {  	v7 =	vld [tilespmem:s20+$0x18800]  }
0x56: {  	v3 =	vadd.f32 v4, v3;
	v4 =	vld [tilespmem:s19+$0x1E400]  }
0x57: {  	v8 =	vld [tilespmem:s20+$0x18C00]  }
0x58: {  	v3 =	vadd.f32 v5, v3  }
0x59: {  	vm0 =	vgt.s32 v0, $0x1;
	v5 =	vld [tilespmem:s20+$0x19000]  }
0x5a: {  	v7 =	vnsel vm0, $0x0, v7;
	v3 =	vadd.f32 v6, v3;
	vm0 =	veq.s32 v1, v2  }
0x5b: {  	vm1 =	vgt.s32 v0, $0x2;
	v1 =	vld [tilespmem:s20+$0x19400];
	v2 =	vnsel vm0, $0x0, v4  }
0x5c: {  	v4 =	vnsel vm1, $0x0, v8;
	v2 =	vmul.f32 v2, v3  }
0x5d: {  	vm0 =	vgt.s32 v0, $0x3;
	v3 =	vld [tilespmem:s20+$0x19800]  }
0x5e: {  	v5 =	vnsel vm0, $0x0, v5;
	v6 =	vld [tilespmem:s20+$0x19C00];
	[tilespmem:s19+$0x1E800] =	vst v2;
	s19 =	smov.u32 s20  }
0x5f: {  	vm0 =	vgt.s32 v0, $0x4;
	v2 =	vld.idx.msk [tilespmem:v7+s2+$0x0], $0xffff  }
0x60: {  	v1 =	vnsel vm0, $0x0, v1;
	v7 =	vld [tilespmem:s19+$0x1A000]  }
0x61: {  	vm0 =	vgt.s32 v0, $0x5;
	v4 =	vld.idx.msk [tilespmem:v4+s2+$0x0], $0xffff  }
0x62: {  	v3 =	vnsel vm0, $0x0, v3;
	v8 =	vld [tilespmem:s19+$0x1A400]  }
0x63: {  	vm0 =	vgt.s32 v0, $0x6;
	v5 =	vld.idx.msk [tilespmem:v5+s2+$0x0], $0xffff  }
0x64: {  	v6 =	vnsel vm0, $0x0, v6;
	v9 =	vld [tilespmem:s19+$0x1A800]  }
0x65: {  	vm0 =	vgt.s32 v0, $0x7;
	v2 =	vadd.f32 $0.0e+00, v2;
	v1 =	vld.idx.msk [tilespmem:v1+s2+$0x0], $0xffff  }
0x66: {  	v7 =	vnsel vm0, $0x0, v7;
	v10 =	vld [tilespmem:s19+$0x1AC00]  }
0x67: {  	vm0 =	vgt.s32 v0, $0x8;
	v2 =	vadd.f32 v4, v2;
	v3 =	vld.idx.msk [tilespmem:v3+s2+$0x0], $0xffff  }
0x68: {  	v4 =	vnsel vm0, $0x0, v8;
	v8 =	vld [tilespmem:s19+$0x1B000]  }
0x69: {  	vm0 =	vgt.s32 v0, $0x9;
	v2 =	vadd.f32 v5, v2;
	v5 =	vld.idx.msk [tilespmem:v6+s2+$0x0], $0xffff  }
0x6a: {  	v6 =	vnsel vm0, $0x0, v9;
	v9 =	vld [tilespmem:s19+$0x1B400]  }
0x6b: {  	vm0 =	vgt.s32 v0, $0xA;
	v1 =	vadd.f32 v1, v2;
	v2 =	vld.idx.msk [tilespmem:v7+s2+$0x0], $0xffff  }
0x6c: {  	v7 =	vnsel vm0, $0x0, v10;
	v10 =	vld [tilespmem:s19+$0x1B800]  }
0x6d: {  	vm0 =	vgt.s32 v0, $0xB;
	v1 =	vadd.f32 v3, v1;
	v3 =	vld.idx.msk [tilespmem:v4+s2+$0x0], $0xffff  }
0x6e: {  	v4 =	vnsel vm0, $0x0, v8;
	v8 =	vld [tilespmem:s19+$0x1BC00]  }
0x6f: {  	vm0 =	vgt.s32 v0, $0xC;
	v1 =	vadd.f32 v5, v1;
	v5 =	vld.idx.msk [tilespmem:v6+s2+$0x0], $0xffff  }
0x70: {  	v6 =	vnsel vm0, $0x0, v9;
	v9 =	vld [tilespmem:s19+$0x1C000]  }
0x71: {  	vm0 =	vgt.s32 v0, $0xD;
	v1 =	vadd.f32 v2, v1;
	v2 =	vld.idx.msk [tilespmem:v7+s2+$0x0], $0xffff  }
0x72: {  	v7 =	vnsel vm0, $0x0, v10;
	v10 =	vld [tilespmem:s19+$0x1C400]  }
0x73: {  	vm0 =	vgt.s32 v0, $0xE;
	v1 =	vadd.f32 v3, v1;
	v3 =	vld.idx.msk [tilespmem:v4+s2+$0x0], $0xffff  }
0x74: {  	v4 =	vnsel vm0, $0x0, v8;
	v8 =	vld [tilespmem:s19+$0x1C800]  }
0x75: {  	vm0 =	vgt.s32 v0, $0xF;
	v1 =	vadd.f32 v5, v1;
	v5 =	vld.idx.msk [tilespmem:v6+s2+$0x0], $0xffff  }
0x76: {  	v6 =	vnsel vm0, $0x0, v9;
	v9 =	vld [tilespmem:s19+$0x1CC00]  }
0x77: {  	vm0 =	vgt.s32 v0, $0x10;
	v1 =	vadd.f32 v2, v1;
	v2 =	vld.idx.msk [tilespmem:v7+s2+$0x0], $0xffff  }
0x78: {  	v7 =	vnsel vm0, $0x0, v10;
	v10 =	vld [tilespmem:s19+$0x1D000]  }
0x79: {  	vm0 =	vgt.s32 v0, $0x11;
	v1 =	vadd.f32 v3, v1;
	v3 =	vld.idx.msk [tilespmem:v4+s2+$0x0], $0xffff  }
0x7a: {  	v4 =	vnsel vm0, $0x0, v8;
	v8 =	vld [tilespmem:s19+$0x1D400]  }
0x7b: {  	vm0 =	vgt.s32 v0, $0x12;
	v1 =	vadd.f32 v5, v1;
	v5 =	vld.idx.msk [tilespmem:v6+s2+$0x0], $0xffff  }
0x7c: {  	v9 =	vnsel vm0, $0x0, v9  }
0x7d: {  	vm0 =	vgt.s32 v0, $0x13;
	v1 =	vadd.f32 v2, v1;
	v7 =	vld.idx.msk [tilespmem:v7+s2+$0x0], $0xffff  }
0x7e: {  	v10 =	vnsel vm0, $0x0, v10  }
0x7f: {  	vm0 =	vgt.s32 v0, $0x14;
	v2 =	vadd.f32 v3, v1;
	v3 =	vld.idx.msk [tilespmem:v4+s2+$0x0], $0xffff  }
.Ltmp0:
0x80: {  	v6 =	vnsel vm0, $0x0, v8;
	v1 =	vld [tilespmem:s19+$0x1DC00];
	(pc) =	sbr.rel @p0 .LBB2_2-.Ltmp0, $4  }
0x81: {  	v0 =	vadd.f32 v5, v2;
	v4 =	vld.idx.msk [tilespmem:v9+s2+$0x0], $0xffff  }
0x82: {  	v2 =	vld [tilespmem:s19+$0x1E000]  }
0x83: {  	s20 =	sshra.s32 s21, $0x2;
	v7 =	vadd.f32 v7, v0;
	v5 =	vld.idx.msk [tilespmem:v10+s2+$0x0], $0xffff  }
0x84: {  	s21 =	sadd.s32 $0x40, s21;
	v0 =	vld [tilespmem:s20+$0x1D800]  }
0x85: {  	_ =	sdelay $0x3  }
0x86: {  	v3 =	vadd.f32 v3, v7;
	v6 =	vld.idx.msk [tilespmem:v6+s2+$0x0], $0xffff  }
0x87: {  	v15 =	vld [tilespmem:s20+$0x18800]  }
0x88: {  	v16 =	vld [tilespmem:s19+$0x1E400];
	v3 =	vadd.f32 v4, v3  }
0x89: {  	v8 =	vld [tilespmem:s20+$0x18C00]  }
0x8a: {  	v3 =	vadd.f32 v5, v3  }
0x8b: {  	v17 =	vld [tilespmem:s20+$0x19000];
	vm0 =	vgt.s32 v0, $0x1  }
0x8c: {  	vm8 =	veq.s32 v1, v2;
	v7 =	vnsel vm0, $0x0, v15;
	v3 =	vadd.f32 v6, v3  }
0x8d: {  	v18 =	vld [tilespmem:s20+$0x19400];
	vm1 =	vgt.s32 v0, $0x2;
	v2 =	vnsel vm8, $0x0, v16  }
0x8e: {  	v19 =	vnsel vm1, $0x0, v8;
	v2 =	vmul.f32 v2, v3  }
0x8f: {  	v20 =	vld [tilespmem:s20+$0x19800];
	vm9 =	vgt.s32 v0, $0x3  }
0x90: {  	v21 =	vld [tilespmem:s20+$0x19C00];
	v5 =	vnsel vm9, $0x0, v17;
	[tilespmem:s19+$0x1E800] =	vst v2  }
0x91: {  	vm10 =	vgt.s32 v0, $0x4;
	v2 =	vld.idx.msk [tilespmem:v7+s2+$0x0], $0xffff  }
0x92: {  	v1 =	vnsel vm10, $0x0, v18;
	v22 =	vld [tilespmem:s20+$0x1A000]  }
0x93: {  	vm11 =	vgt.s32 v0, $0x5;
	v4 =	vld.idx.msk [tilespmem:v19+s2+$0x0], $0xffff  }
0x94: {  	v3 =	vnsel vm11, $0x0, v20;
	v23 =	vld [tilespmem:s20+$0x1A400]  }
0x95: {  	vm12 =	vgt.s32 v0, $0x6;
	v5 =	vld.idx.msk [tilespmem:v5+s2+$0x0], $0xffff  }
0x96: {  	v6 =	vnsel vm12, $0x0, v21;
	v9 =	vld [tilespmem:s20+$0x1A800];
	v2 =	vadd.f32 $0.0e+00, v2  }
0x97: {  	vm13 =	vgt.s32 v0, $0x7;
	v1 =	vld.idx.msk [tilespmem:v1+s2+$0x0], $0xffff  }
0x98: {  	v10 =	vld [tilespmem:s20+$0x1AC00];
	v7 =	vnsel vm13, $0x0, v22;
	v2 =	vadd.f32 v4, v2  }
0x99: {  	vm14 =	vgt.s32 v0, $0x8;
	v3 =	vld.idx.msk [tilespmem:v3+s2+$0x0], $0xffff  }
0x9a: {  	v25 =	vld [tilespmem:s20+$0x1B000];
	v24 =	vnsel vm14, $0x0, v23;
	v2 =	vadd.f32 v5, v2  }
0x9b: {  	vm15 =	vgt.s32 v0, $0x9;
	v26 =	vld.idx.msk [tilespmem:v6+s2+$0x0], $0xffff  }
0x9c: {  	v28 =	vld [tilespmem:s20+$0x1B400];
	v27 =	vnsel vm15, $0x0, v9;
	v1 =	vadd.f32 v1, v2  }
0x9d: {  	vm4 =	vgt.s32 v0, $0xA;
	v29 =	vld.idx.msk [tilespmem:v7+s2+$0x0], $0xffff  }
0x9e: {  	v31 =	vld [tilespmem:s20+$0x1B800];
	v30 =	vnsel vm4, $0x0, v10;
	v1 =	vadd.f32 v3, v1  }
0x9f: {  	vm5 =	vgt.s32 v0, $0xB;
	v32 =	vld.idx.msk [tilespmem:v24+s2+$0x0], $0xffff  }
0xa0: {  	v34 =	vld [tilespmem:s20+$0x1BC00];
	v33 =	vnsel vm5, $0x0, v25;
	v1 =	vadd.f32 v26, v1  }
0xa1: {  	vm6 =	vgt.s32 v0, $0xC;
	v35 =	vld.idx.msk [tilespmem:v27+s2+$0x0], $0xffff  }
0xa2: {  	v37 =	vld [tilespmem:s20+$0x1C000];
	v36 =	vnsel vm6, $0x0, v28;
	v1 =	vadd.f32 v29, v1  }
0xa3: {  	vm7 =	vgt.s32 v0, $0xD;
	v38 =	vld.idx.msk [tilespmem:v30+s2+$0x0], $0xffff  }
0xa4: {  	v40 =	vld [tilespmem:s20+$0x1C400];
	v39 =	vnsel vm7, $0x0, v31;
	v1 =	vadd.f32 v32, v1  }
0xa5: {  	vm8 =	vgt.s32 v0, $0xE;
	v41 =	vld.idx.msk [tilespmem:v33+s2+$0x0], $0xffff  }
0xa6: {  	v43 =	vld [tilespmem:s20+$0x1C800];
	v42 =	vnsel vm8, $0x0, v34;
	v1 =	vadd.f32 v35, v1  }
0xa7: {  	vm9 =	vgt.s32 v0, $0xF;
	v44 =	vld.idx.msk [tilespmem:v36+s2+$0x0], $0xffff  }
0xa8: {  	v46 =	vld [tilespmem:s20+$0x1CC00];
	v45 =	vnsel vm9, $0x0, v37;
	v1 =	vadd.f32 v38, v1  }
0xa9: {  	vm10 =	vgt.s32 v0, $0x10;
	v47 =	vld.idx.msk [tilespmem:v39+s2+$0x0], $0xffff  }
0xaa: {  	v49 =	vld [tilespmem:s20+$0x1D000];
	v48 =	vnsel vm10, $0x0, v40;
	v1 =	vadd.f32 v41, v1  }
0xab: {  	vm11 =	vgt.s32 v0, $0x11;
	v50 =	vld.idx.msk [tilespmem:v42+s2+$0x0], $0xffff  }
0xac: {  	v52 =	vld [tilespmem:s20+$0x1D400];
	v51 =	vnsel vm11, $0x0, v43;
	v1 =	vadd.f32 v44, v1  }
0xad: {  	vm12 =	vgt.s32 v0, $0x12;
	v53 =	vld.idx.msk [tilespmem:v45+s2+$0x0], $0xffff  }
0xae: {  	v54 =	vnsel vm12, $0x0, v46;
	v1 =	vadd.f32 v47, v1  }
0xaf: {  	vm13 =	vgt.s32 v0, $0x13;
	v55 =	vld.idx.msk [tilespmem:v48+s2+$0x0], $0xffff  }
0xb0: {  	v56 =	vnsel vm13, $0x0, v49;
	v1 =	vadd.f32 v50, v1  }
0xb1: {  	vm14 =	vgt.s32 v0, $0x14;
	v57 =	vld.idx.msk [tilespmem:v51+s2+$0x0], $0xffff  }
0xb2: {  	v0 =	vnsel vm14, $0x0, v52;
	v1 =	vadd.f32 v53, v1  }
0xb3: {  	v58 =	vld.idx.msk [tilespmem:v54+s2+$0x0], $0xffff  }
0xb4: {  	v59 =	vld [tilespmem:s20+$0x1DC00];
	v1 =	vadd.f32 v55, v1  }
0xb5: {  	v60 =	vld.idx.msk [tilespmem:v56+s2+$0x0], $0xffff  }
0xb6: {  	v61 =	vld [tilespmem:s20+$0x1E000];
	v1 =	vadd.f32 v57, v1  }
0xb7: {  	v0 =	vld.idx.msk [tilespmem:v0+s2+$0x0], $0xffff  }
0xb8: {  	v62 =	vld [tilespmem:s20+$0x1E400];
	v1 =	vadd.f32 v58, v1;
	_ =	sdelay $0x1  }
0xb9: {  	v1 =	vadd.f32 v60, v1;
	_ =	sdelay $0x1  }
0xba: {  	vm15 =	veq.s32 v59, v61;
	v0 =	vadd.f32 v0, v1  }
0xbb: {  	v63 =	vnsel vm15, $0x0, v62  }
0xbc: {  	s18 =	sadd.s32 $0x1, s18;
	v0 =	vmul.f32 v63, v0  }
0xbd: {  	p0 =	sne.s32 s18, s10  }
.Ltmp1:
0xbe: {  	[tilespmem:s20+$0x1E800] =	vst v0;
	(pc) =	sbr.rel @p0 .LBB2_1-.Ltmp1, $4  }
0xbf: {  	[hbm4b:s9+s2] =	stream.linear.scatter [tilespmem:s17], [sflag:$0x1], $0x400, $0x38;
	[tilespmem:$0x1EC00] =	vst v63  }
0xc0: {  	_ =	swait.ge [sflag:s11], $0x400  }
0xc1: {  	[sflag:s11] =	ssyncset.done $0x0  }
0xc2: {  	[sflag:s11] =	ssyncadd.s32 $0xFFFFFC00  }
0xc3: {  	_ =	sfence.sel $0x180000  }
0xc4: {  	[bflag:$0x0] =	sbarrier.arrive $0xFFFF  }
0xc5: {  	p0 =	sne.s32 s1, $0x0;
	_ =	strace $0x90000047  }
0xc6: {  	s0 =	sadd.s32 @!p0 $0x100000, s0;
	[bflag:$0x2] =	sbarrier.arrive $0xFFFF  }
0xc7: {  	[sflag:s0] =	ssyncadd.tile.s32 @!p0 $0x1;
	_ =	shalt  }
.Lfunc_end2:
_tile_overlayer_lowered:
.L_overlay_start_2:
0xc8: {  	(tag) =	ssettag $0x2  }
0xc9: {  	s0 =	rddreg [dreg:$0x0];
	s2 =	stileid.u32  }
0xca: {  	s1 =	rddreg [dreg:$0x1];
	p0 =	sne.s32 s2, $0x0  }
0xcb: {  	s3 =	rddreg [dreg:$0x2];
	[bflag:$0x3] =	sbarrier.arrive $0xFFFF;
	s2 =	simm.s32 @!p0 $0x1C01  }
0xcc: {  	[timem:s3], [sflag:s2] =	dma.local @!p0 [hbm:s0], s1  }
0xcd: {  	s0 =	simm.s32 @!p0 $0x1  }
0xce: {  	_ =	swait.ge @!p0 [sflag:s0], s1  }
0xcf: {  	s1 =	ssub.s32 @!p0 $0x0, s1;
	[sflag:s0] =	ssyncset.done @!p0 $0x0  }
0xd0: {  	[sflag:s0] =	ssyncadd.s32 @!p0 s1  }
0xd1: {  	[bflag:$0x3] =	sbarrier.arrive $0xFFFF  }
0xd2: {  	_ =	shalt  }

</sc_bundles>
